<compile_context>
chip_gen: v7x
topology: tpu7x:2x2x1
jax: 0.10.2.dev20260603
libtpu: 0.0.44.dev20260713+nightly
codegen_flags: <defaults>
</compile_context>

<pallas_src>
import functools

import jax
import jax.numpy as jnp
from jax import lax
from jax.experimental import pallas as pl
from jax.experimental.pallas import tpu as pltpu
from jax.experimental.pallas import tpu_sc as plsc

N_NODES = 10000
DIM = 128
NUM_REL = 2
NUM_BASES = 30
N_EDGES = 320000

STRIDE = 10240
HSIZE = NUM_REL * STRIDE
NE_PAD = 327680
EA = NE_PAD // 16
EB = NE_PAD // 32
RSL = HSIZE // 16


REAL_A_TILE = 15
REAL_A_LEN = N_EDGES - REAL_A_TILE * EA
REAL_B_WID = 31
REAL_B_LEN = N_EDGES - REAL_B_WID * EB
GAP = STRIDE - N_NODES


def _sc_edge_kernel(edges, etype, a_out,
                    e0, e1, esrc, hist, acc, tmp2d, rbuf, sem, sem2,
                    stage_sp):
    c = lax.axis_index("c")
    s = lax.axis_index("s")
    wid = s * 2 + c
    hb = c * EB

    one16 = jnp.full((16,), 1.0, jnp.float32)
    zero16 = jnp.zeros((16,), jnp.float32)

    @pl.when(wid != REAL_B_WID)
    def _fire_src_full():
        pltpu.async_copy(edges.at[0, pl.ds(wid * EB, EB)], esrc, sem2)

    @pl.when(wid == REAL_B_WID)
    def _fire_src_tail():
        pltpu.async_copy(edges.at[0, pl.ds(REAL_B_WID * EB, REAL_B_LEN)],
                         esrc.at[pl.ds(0, REAL_B_LEN)], sem2)

    base_a = s * EA

    @pl.when(s != REAL_A_TILE)
    def _fire_a_full():
        pltpu.async_copy(edges.at[1, pl.ds(base_a, EA)], e0, sem)
        pltpu.async_copy(etype.at[pl.ds(base_a, EA)], e1, sem)

    @pl.when(s == REAL_A_TILE)
    def _fire_a_tail():
        pltpu.async_copy(edges.at[1, pl.ds(REAL_A_TILE * EA, REAL_A_LEN)],
                         e0.at[pl.ds(0, REAL_A_LEN)], sem)
        pltpu.async_copy(etype.at[pl.ds(REAL_A_TILE * EA, REAL_A_LEN)],
                         e1.at[pl.ds(0, REAL_A_LEN)], sem)

    @plsc.parallel_loop(0, HSIZE // 64)
    def _zero_hist(i):
        for k in range(4):
            hist[pl.ds(i * 64 + k * 16, 16)] = zero16

    @plsc.parallel_loop(0, HSIZE // 64)
    def _zero_acc(i):
        for k in range(4):
            acc[pl.ds(i * 64 + k * 16, 16)] = zero16

    @pl.when(s != REAL_A_TILE)
    def _wait_a_full():
        pltpu.make_async_copy(edges.at[1, pl.ds(base_a, EA)], e0, sem).wait()
        pltpu.make_async_copy(etype.at[pl.ds(base_a, EA)], e1, sem).wait()

    @pl.when(s == REAL_A_TILE)
    def _wait_a_tail():
        pltpu.make_async_copy(edges.at[1, pl.ds(REAL_A_TILE * EA, REAL_A_LEN)],
                              e0.at[pl.ds(0, REAL_A_LEN)], sem).wait()
        pltpu.make_async_copy(etype.at[pl.ds(REAL_A_TILE * EA, REAL_A_LEN)],
                              e1.at[pl.ds(0, REAL_A_LEN)], sem).wait()
        gap16 = N_NODES + lax.rem(lax.iota(jnp.int32, 16), GAP)
        zero16i = jnp.zeros((16,), jnp.int32)

        @plsc.parallel_loop(0, (EA - REAL_A_LEN) // 16)
        def _fill_fake_a(i):
            off = REAL_A_LEN + i * 16
            e0[pl.ds(off, 16)] = N_NODES + lax.rem(gap16 + i * 16 - N_NODES,
                                                   GAP)
            e1[pl.ds(off, 16)] = zero16i

    with jax.named_scope("hist_a"):
        @plsc.parallel_loop(0, EA // 64)
        def _hist_a(i):
            for k in range(4):
                o = i * 64 + k * 16
                d = e0[pl.ds(o, 16)]
                t = e1[pl.ds(o, 16)]
                plsc.addupdate_scatter(hist, [t * STRIDE + d], one16)

    HH = HSIZE // 2
    RH = RSL // 2
    scope_reduce = jax.named_scope("reduce_hist")
    scope_reduce.__enter__()

    for h in range(2):
        pltpu.sync_copy(hist.at[pl.ds(h * HH, HH)], stage_sp.at[s])
        plsc.subcore_barrier()
        pltpu.sync_copy(stage_sp.at[:, pl.ds(s * RH, RH)], tmp2d)

        @plsc.parallel_loop(0, RH // 16)
        def _reduce_r(i, h=h):
            v = tmp2d[0, pl.ds(i * 16, 16)]
            for r in range(1, 16):
                v = v + tmp2d[r, pl.ds(i * 16, 16)]
            rbuf[pl.ds(h * RH + i * 16, 16)] = 1.0 / jnp.maximum(v, 1.0)

        plsc.subcore_barrier()

    pltpu.sync_copy(rbuf.at[pl.ds(0, RH)], stage_sp.at[0, pl.ds(s * RH, RH)])
    pltpu.sync_copy(rbuf.at[pl.ds(RH, RH)], stage_sp.at[1, pl.ds(s * RH, RH)])
    plsc.subcore_barrier()
    pltpu.sync_copy(stage_sp.at[0], hist.at[pl.ds(0, HH)])
    pltpu.sync_copy(stage_sp.at[1], hist.at[pl.ds(HH, HH)])

    scope_reduce.__exit__(None, None, None)

    @pl.when(wid != REAL_B_WID)
    def _wait_src_full():
        pltpu.make_async_copy(edges.at[0, pl.ds(wid * EB, EB)], esrc,
                              sem2).wait()

    @pl.when(wid == REAL_B_WID)
    def _wait_src_tail():
        pltpu.make_async_copy(edges.at[0, pl.ds(REAL_B_WID * EB, REAL_B_LEN)],
                              esrc.at[pl.ds(0, REAL_B_LEN)], sem2).wait()
        gap16 = N_NODES + lax.rem(lax.iota(jnp.int32, 16), GAP)

        @plsc.parallel_loop(0, (EB - REAL_B_LEN) // 16)
        def _fill_fake_src(i):
            esrc[pl.ds(REAL_B_LEN + i * 16, 16)] = N_NODES + lax.rem(
                gap16 + i * 16 - N_NODES, GAP)

    with jax.named_scope("accum_b"):
        @plsc.parallel_loop(0, EB // 64)
        def _accum_b(i):
            for k in range(4):
                o = i * 64 + k * 16
                d = e0[pl.ds(hb + o, 16)]
                t = e1[pl.ds(hb + o, 16)]
                w = plsc.load_gather(hist, [t * STRIDE + d])
                sv = esrc[pl.ds(o, 16)]
                plsc.addupdate_scatter(acc, [t * STRIDE + sv], w)

    with jax.named_scope("emit_acc"):
        pltpu.sync_copy(acc, a_out.at[wid])


@functools.cache
def _sc_edge():
  return functools.partial(
    pl.kernel,
    out_type=jax.ShapeDtypeStruct((32, HSIZE), jnp.float32),
    mesh=plsc.VectorSubcoreMesh(core_axis_name="c", subcore_axis_name="s"),
    compiler_params=pltpu.CompilerParams(needs_layout_passes=False),
    scratch_types=[
        pltpu.VMEM((EA,), jnp.int32),
        pltpu.VMEM((EA,), jnp.int32),
        pltpu.VMEM((EB,), jnp.int32),
        pltpu.VMEM((HSIZE,), jnp.float32),
        pltpu.VMEM((HSIZE,), jnp.float32),
        pltpu.VMEM((16, RSL // 2), jnp.float32),
        pltpu.VMEM((RSL,), jnp.float32),
        pltpu.SemaphoreType.DMA,
        pltpu.SemaphoreType.DMA,
        pltpu.VMEM_SHARED((16, HSIZE // 2), jnp.float32),
    ],
  )(_sc_edge_kernel)


def _tc_base_kernel(x_ref, root_ref, bias_ref, linW_ref, linb_ref, out_ref):
    cs = jnp.sum(x_ref[...], axis=0, keepdims=True)
    rootp = jnp.dot(cs, root_ref[...], preferred_element_type=jnp.float32)
    pooled = rootp * (1.0 / N_NODES) + bias_ref[...][None, :]
    out_ref[...] = jnp.dot(pooled, linW_ref[...],
                           preferred_element_type=jnp.float32) \
        + linb_ref[...][None, :]


_tc_base = pl.pallas_call(
    _tc_base_kernel,
    out_shape=jax.ShapeDtypeStruct((1, N_NODES), jnp.float32),
)


def _tc_main_kernel(apart_ref, x_ref, comp_ref, basis_ref, linW_ref,
                    base_ref, out_ref):
    asum = jnp.sum(apart_ref[...], axis=0)
    a0 = asum[0:N_NODES][None, :]
    a1 = asum[STRIDE:STRIDE + N_NODES][None, :]
    m = jnp.concatenate([a0, a1], axis=0)
    msum = jnp.dot(m, x_ref[...], preferred_element_type=jnp.float32)
    p = lax.dot_general(comp_ref[...], msum, (((0,), (0,)), ((), ())),
                        preferred_element_type=jnp.float32)
    acc = jnp.zeros((1, DIM), jnp.float32)
    for b in range(NUM_BASES):
        acc = acc + jnp.dot(p[b:b + 1, :], basis_ref[b],
                            preferred_element_type=jnp.float32)
    delta = acc * (1.0 / N_NODES)
    out_ref[...] = base_ref[...] + jnp.dot(delta, linW_ref[...],
                                           preferred_element_type=jnp.float32)


_tc_main = pl.pallas_call(
    _tc_main_kernel,
    out_shape=jax.ShapeDtypeStruct((1, N_NODES), jnp.float32),
)


@jax.jit
def kernel(edges, edge_type, item_emb, basis, comp, root, rgcn_bias, lin_W, lin_b):
    apart = _sc_edge()(edges.astype(jnp.int32), edge_type.astype(jnp.int32))
    base = _tc_base(item_emb, root, rgcn_bias, lin_W, lin_b)
    return _tc_main(apart, item_emb, comp, basis, lin_W, base)

# --- scband reference (transcript-rebuilt; emitter-appended) ---
"""Pipeline reference for scband-rec-graph-14817637171707 (READ-ONLY COPY).

The authoritative reference and input builder live on the scoring server;
editing this copy changes nothing except your own understanding.
"""

import jax, jax.numpy as jnp
import numpy as np

N_ITEMS = 10000
N_EDGES = 320000
DIM = 128
NUM_REL = 2
NUM_BASES = 30


def setup_inputs(seed: int = 0) -> dict:
    key = jax.random.key(seed)
    ks = jax.random.split(key, 9)
    edges = jax.random.randint(ks[0], (2, N_EDGES), 0, N_ITEMS)
    edge_type = jax.random.randint(ks[1], (N_EDGES,), 0, NUM_REL)
    item_emb = 0.1 * jax.random.normal(ks[2], (N_ITEMS, DIM), dtype=jnp.float32)
    basis = jax.random.normal(ks[3], (NUM_BASES, DIM, DIM), dtype=jnp.float32) * (1.0 / np.sqrt(DIM))
    comp = jax.random.normal(ks[4], (NUM_REL, NUM_BASES), dtype=jnp.float32) * (1.0 / np.sqrt(NUM_BASES))
    root = jax.random.normal(ks[5], (DIM, DIM), dtype=jnp.float32) * (1.0 / np.sqrt(DIM))
    rgcn_bias = jnp.zeros((DIM,), dtype=jnp.float32)
    lin_W = jax.random.normal(ks[6], (DIM, N_ITEMS), dtype=jnp.float32) * (1.0 / np.sqrt(DIM))
    lin_b = jnp.zeros((N_ITEMS,), dtype=jnp.float32)
    return {"edges": edges, "edge_type": edge_type, "item_emb": item_emb,
            "basis": basis, "comp": comp, "root": root, "rgcn_bias": rgcn_bias,
            "lin_W": lin_W, "lin_b": lin_b}


def reference(edges, edge_type, item_emb, basis, comp, root, rgcn_bias, lin_W, lin_b):
    # x = item_emb(arange(num_items)) == full embedding table gather
    x = jnp.take(item_emb, jnp.arange(N_ITEMS), axis=0)
    # RGCNConv with basis decomposition: W_r = sum_b comp[r,b] * basis[b]
    W = jnp.einsum('rb,bio->rio', comp, basis)  # [NUM_REL, DIM, DIM]
    src = edges[0]
    dst = edges[1]
    x_src = x[src]
    # root/self transform + bias
    out = x @ root + rgcn_bias
    # per-relation mean aggregation over incoming edges (PyG RGCNConv aggr='mean')
    for r in range(NUM_REL):
        mask = (edge_type == r).astype(x.dtype)
        # per-edge message for edges of type r: x[src] @ W[r], zeroed elsewhere
        msgs_r = jnp.einsum('ei,io->eo', x_src, W[r])
        summed = jax.ops.segment_sum(msgs_r * mask[:, None], dst, num_segments=N_ITEMS)
        cnt = jax.ops.segment_sum(mask, dst, num_segments=N_ITEMS)
        out = out + summed / jnp.maximum(cnt, 1.0)[:, None]
    # global_mean_pool over the single graph (batch of zeros)
    pooled = jnp.mean(out, axis=0, keepdims=True)  # [1, DIM]
    logits = pooled @ lin_W + lin_b  # [1, N_ITEMS]
    return logits

if __name__ == "__main__":
    import jax
    _d = setup_inputs()
    print(jax.jit(kernel)(*tuple(_d.values())))

</pallas_src>

<mosaic_0001>
#map = affine_map<(d0, d1) -> (0, 0)>
#map1 = affine_map<(d0, d1) -> (0)>
module attributes {stable_mosaic.version = 14 : i64} {
  func.func @_sc_edge_kernel(%arg0: i32, %arg1: i32, %arg2: memref<2x320000xi32, #tpu.memory_space<hbm>>, %arg3: memref<320000xi32, #tpu.memory_space<hbm>>, %arg4: memref<32x20480xf32, #tpu.memory_space<hbm>>, %arg5: memref<20480xi32, #tpu.memory_space<vmem>>, %arg6: memref<20480xi32, #tpu.memory_space<vmem>>, %arg7: memref<10240xi32, #tpu.memory_space<vmem>>, %arg8: memref<20480xf32, #tpu.memory_space<vmem>>, %arg9: memref<20480xf32, #tpu.memory_space<vmem>>, %arg10: memref<16x640xf32, #tpu.memory_space<vmem>>, %arg11: memref<1280xf32, #tpu.memory_space<vmem>>, %arg12: memref<!tpu.dma_semaphore, #tpu.memory_space<semaphore_mem>>, %arg13: memref<!tpu.dma_semaphore, #tpu.memory_space<semaphore_mem>>, %arg14: memref<16x10240xf32, #tpu.memory_space<vmem_shared>>) attributes {dimension_semantics = [#tpu.dimension_semantics<core_parallel>, #tpu.dimension_semantics<subcore_parallel>], iteration_bounds = array<i64: 2, 16>, scalar_prefetch = 0 : i64, scratch_operands = 10 : i64, tpu.core_type = #tpu.core_type<sc_vector_subcore>, window_params = [{transform_indices = #map}, {transform_indices = #map1}, {transform_indices = #map}]} {
    %mul3A = arith.constant 2 : i32
    %mul3A_0 = arith.muli %arg1, %mul3A : i32
    %add3A = arith.addi %mul3A_0, %arg0 : i32
    %mul3A_1 = arith.constant 10240 : i32
    %mul3A_2 = arith.muli %arg0, %mul3A_1 : i32
    %broadcast_in_dim3A = arith.constant 1.000000e+00 : f32
    %broadcast_in_dim3A_3 = vector.broadcast %broadcast_in_dim3A : f32 to vector<16xf32>
    %broadcast_in_dim3A_4 = arith.constant 0.000000e+00 : f32
    %broadcast_in_dim3A_5 = vector.broadcast %broadcast_in_dim3A_4 : f32 to vector<16xf32>
    %ne3A = arith.constant 31 : i32
    %ne3A_6 = arith.cmpi ne, %add3A, %ne3A : i32
    %convert_element_type3A = arith.extui %ne3A_6 : i1 to i32
    %cond3A = arith.constant 0 : i32
    %cond3A_7 = arith.cmpi ne, %convert_element_type3A, %cond3A : i32
    scf.if %cond3A_7 {
      %mul3A_76 = arith.constant 10240 : i32
      %mul3A_77 = arith.muli %add3A, %mul3A_76 : i32
      %dma_start3A = arith.constant 0 : i32
      %dma_start3A_78 = tpu.memref_slice %arg2[%dma_start3A, %mul3A_77] : memref<2x320000xi32, #tpu.memory_space<hbm>> -> memref<1x10240xi32, #tpu.memory_space<hbm>>
      %dma_start3A_79 = tpu.memref_squeeze %dma_start3A_78 : memref<1x10240xi32, #tpu.memory_space<hbm>> -> memref<10240xi32, #tpu.memory_space<hbm>>
      %dma_start3A_80 = tpu.memref_slice %arg2[%dma_start3A, %mul3A_77] : memref<2x320000xi32, #tpu.memory_space<hbm>> -> memref<1x10240xi32, #tpu.memory_space<hbm>>
      %dma_start3A_81 = tpu.memref_squeeze %dma_start3A_80 : memref<1x10240xi32, #tpu.memory_space<hbm>> -> memref<10240xi32, #tpu.memory_space<hbm>>
      tpu.enqueue_dma source(%dma_start3A_81 : memref<10240xi32, #tpu.memory_space<hbm>>) target(%arg7 : memref<10240xi32, #tpu.memory_space<vmem>>) target_semaphore(%arg13 : memref<!tpu.dma_semaphore, #tpu.memory_space<semaphore_mem>>)
    } else {
    }
    %eq3A = arith.constant 31 : i32
    %eq3A_8 = arith.cmpi eq, %add3A, %eq3A : i32
    %convert_element_type3A_9 = arith.extui %eq3A_8 : i1 to i32
    %cond3A_10 = arith.constant 0 : i32
    %cond3A_11 = arith.cmpi ne, %convert_element_type3A_9, %cond3A_10 : i32
    scf.if %cond3A_11 {
      %dma_start3A = arith.constant 0 : i32
      %dma_start3A_76 = arith.constant 0 : i32
      %dma_start3A_77 = tpu.memref_slice %arg7[%dma_start3A_76] : memref<10240xi32, #tpu.memory_space<vmem>> -> memref<2560xi32, #tpu.memory_space<vmem>>
      %dma_start3A_78 = arith.constant 317440 : i32
      %dma_start3A_79 = tpu.memref_slice %arg2[%dma_start3A, %dma_start3A_78] : memref<2x320000xi32, #tpu.memory_space<hbm>> -> memref<1x2560xi32, #tpu.memory_space<hbm>>
      %dma_start3A_80 = tpu.memref_squeeze %dma_start3A_79 : memref<1x2560xi32, #tpu.memory_space<hbm>> -> memref<2560xi32, #tpu.memory_space<hbm>>
      %dma_start3A_81 = arith.constant 0 : i32
      %dma_start3A_82 = tpu.memref_slice %arg7[%dma_start3A_81] : memref<10240xi32, #tpu.memory_space<vmem>> -> memref<2560xi32, #tpu.memory_space<vmem>>
      %dma_start3A_83 = arith.constant 317440 : i32
      %dma_start3A_84 = tpu.memref_slice %arg2[%dma_start3A, %dma_start3A_83] : memref<2x320000xi32, #tpu.memory_space<hbm>> -> memref<1x2560xi32, #tpu.memory_space<hbm>>
      %dma_start3A_85 = tpu.memref_squeeze %dma_start3A_84 : memref<1x2560xi32, #tpu.memory_space<hbm>> -> memref<2560xi32, #tpu.memory_space<hbm>>
      tpu.enqueue_dma source(%dma_start3A_85 : memref<2560xi32, #tpu.memory_space<hbm>>) target(%dma_start3A_82 : memref<2560xi32, #tpu.memory_space<vmem>>) target_semaphore(%arg13 : memref<!tpu.dma_semaphore, #tpu.memory_space<semaphore_mem>>)
    } else {
    }
    %mul3A_12 = arith.constant 20480 : i32
    %mul3A_13 = arith.muli %arg1, %mul3A_12 : i32
    %ne3A_14 = arith.constant 15 : i32
    %ne3A_15 = arith.cmpi ne, %arg1, %ne3A_14 : i32
    %convert_element_type3A_16 = arith.extui %ne3A_15 : i1 to i32
    %cond3A_17 = arith.constant 0 : i32
    %cond3A_18 = arith.cmpi ne, %convert_element_type3A_16, %cond3A_17 : i32
    scf.if %cond3A_18 {
      %dma_start3A = arith.constant 1 : i32
      %dma_start3A_76 = tpu.memref_slice %arg2[%dma_start3A, %mul3A_13] : memref<2x320000xi32, #tpu.memory_space<hbm>> -> memref<1x20480xi32, #tpu.memory_space<hbm>>
      %dma_start3A_77 = tpu.memref_squeeze %dma_start3A_76 : memref<1x20480xi32, #tpu.memory_space<hbm>> -> memref<20480xi32, #tpu.memory_space<hbm>>
      %dma_start3A_78 = tpu.memref_slice %arg2[%dma_start3A, %mul3A_13] : memref<2x320000xi32, #tpu.memory_space<hbm>> -> memref<1x20480xi32, #tpu.memory_space<hbm>>
      %dma_start3A_79 = tpu.memref_squeeze %dma_start3A_78 : memref<1x20480xi32, #tpu.memory_space<hbm>> -> memref<20480xi32, #tpu.memory_space<hbm>>
      tpu.enqueue_dma source(%dma_start3A_79 : memref<20480xi32, #tpu.memory_space<hbm>>) target(%arg5 : memref<20480xi32, #tpu.memory_space<vmem>>) target_semaphore(%arg12 : memref<!tpu.dma_semaphore, #tpu.memory_space<semaphore_mem>>)
      %dma_start3A_80 = tpu.memref_slice %arg3[%mul3A_13] : memref<320000xi32, #tpu.memory_space<hbm>> -> memref<20480xi32, #tpu.memory_space<hbm>>
      %dma_start3A_81 = tpu.memref_slice %arg3[%mul3A_13] : memref<320000xi32, #tpu.memory_space<hbm>> -> memref<20480xi32, #tpu.memory_space<hbm>>
      tpu.enqueue_dma source(%dma_start3A_81 : memref<20480xi32, #tpu.memory_space<hbm>>) target(%arg6 : memref<20480xi32, #tpu.memory_space<vmem>>) target_semaphore(%arg12 : memref<!tpu.dma_semaphore, #tpu.memory_space<semaphore_mem>>)
    } else {
    }
    %eq3A_19 = arith.constant 15 : i32
    %eq3A_20 = arith.cmpi eq, %arg1, %eq3A_19 : i32
    %convert_element_type3A_21 = arith.extui %eq3A_20 : i1 to i32
    %cond3A_22 = arith.constant 0 : i32
    %cond3A_23 = arith.cmpi ne, %convert_element_type3A_21, %cond3A_22 : i32
    scf.if %cond3A_23 {
      %dma_start3A = arith.constant 1 : i32
      %dma_start3A_76 = arith.constant 0 : i32
      %dma_start3A_77 = tpu.memref_slice %arg5[%dma_start3A_76] : memref<20480xi32, #tpu.memory_space<vmem>> -> memref<12800xi32, #tpu.memory_space<vmem>>
      %dma_start3A_78 = arith.constant 307200 : i32
      %dma_start3A_79 = tpu.memref_slice %arg2[%dma_start3A, %dma_start3A_78] : memref<2x320000xi32, #tpu.memory_space<hbm>> -> memref<1x12800xi32, #tpu.memory_space<hbm>>
      %dma_start3A_80 = tpu.memref_squeeze %dma_start3A_79 : memref<1x12800xi32, #tpu.memory_space<hbm>> -> memref<12800xi32, #tpu.memory_space<hbm>>
      %dma_start3A_81 = arith.constant 0 : i32
      %dma_start3A_82 = tpu.memref_slice %arg5[%dma_start3A_81] : memref<20480xi32, #tpu.memory_space<vmem>> -> memref<12800xi32, #tpu.memory_space<vmem>>
      %dma_start3A_83 = arith.constant 307200 : i32
      %dma_start3A_84 = tpu.memref_slice %arg2[%dma_start3A, %dma_start3A_83] : memref<2x320000xi32, #tpu.memory_space<hbm>> -> memref<1x12800xi32, #tpu.memory_space<hbm>>
      %dma_start3A_85 = tpu.memref_squeeze %dma_start3A_84 : memref<1x12800xi32, #tpu.memory_space<hbm>> -> memref<12800xi32, #tpu.memory_space<hbm>>
      tpu.enqueue_dma source(%dma_start3A_85 : memref<12800xi32, #tpu.memory_space<hbm>>) target(%dma_start3A_82 : memref<12800xi32, #tpu.memory_space<vmem>>) target_semaphore(%arg12 : memref<!tpu.dma_semaphore, #tpu.memory_space<semaphore_mem>>)
      %dma_start3A_86 = arith.constant 0 : i32
      %dma_start3A_87 = tpu.memref_slice %arg6[%dma_start3A_86] : memref<20480xi32, #tpu.memory_space<vmem>> -> memref<12800xi32, #tpu.memory_space<vmem>>
      %dma_start3A_88 = arith.constant 307200 : i32
      %dma_start3A_89 = tpu.memref_slice %arg3[%dma_start3A_88] : memref<320000xi32, #tpu.memory_space<hbm>> -> memref<12800xi32, #tpu.memory_space<hbm>>
      %dma_start3A_90 = arith.constant 0 : i32
      %dma_start3A_91 = tpu.memref_slice %arg6[%dma_start3A_90] : memref<20480xi32, #tpu.memory_space<vmem>> -> memref<12800xi32, #tpu.memory_space<vmem>>
      %dma_start3A_92 = arith.constant 307200 : i32
      %dma_start3A_93 = tpu.memref_slice %arg3[%dma_start3A_92] : memref<320000xi32, #tpu.memory_space<hbm>> -> memref<12800xi32, #tpu.memory_space<hbm>>
      tpu.enqueue_dma source(%dma_start3A_93 : memref<12800xi32, #tpu.memory_space<hbm>>) target(%dma_start3A_91 : memref<12800xi32, #tpu.memory_space<vmem>>) target_semaphore(%arg12 : memref<!tpu.dma_semaphore, #tpu.memory_space<semaphore_mem>>)
    } else {
    }
    %parallel_loop3A = arith.constant 0 : i32
    %parallel_loop3A_24 = arith.constant 320 : i32
    %parallel_loop3A_25 = arith.constant 1 : i32
    scf.for %parallel_loop3A_76 = %parallel_loop3A to %parallel_loop3A_24 step %parallel_loop3A_25  : i32 {
      %parallel_loop3A_77 = arith.constant 64 : i32
      %parallel_loop3A_78 = arith.muli %parallel_loop3A_76, %parallel_loop3A_77 : i32
      %parallel_loop3A_79 = arith.constant 0 : i32
      %parallel_loop3A_80 = arith.addi %parallel_loop3A_78, %parallel_loop3A_79 : i32
      %parallel_loop3A_81 = arith.index_cast %parallel_loop3A_80 : i32 to index
      %parallel_loop3A_82 = tpu.vector_load %arg8[%parallel_loop3A_81] {strides = array<i32>} : memref<20480xf32, #tpu.memory_space<vmem>>, vector<16xf32>,
      tpu.vector_store %arg8[%parallel_loop3A_81], %broadcast_in_dim3A_5 {strides = array<i32>} : memref<20480xf32, #tpu.memory_space<vmem>>, vector<16xf32>,
      %parallel_loop3A_83 = arith.constant 64 : i32
      %parallel_loop3A_84 = arith.muli %parallel_loop3A_76, %parallel_loop3A_83 : i32
      %parallel_loop3A_85 = arith.constant 16 : i32
      %parallel_loop3A_86 = arith.addi %parallel_loop3A_84, %parallel_loop3A_85 : i32
      %parallel_loop3A_87 = arith.index_cast %parallel_loop3A_86 : i32 to index
      %parallel_loop3A_88 = tpu.vector_load %arg8[%parallel_loop3A_87] {strides = array<i32>} : memref<20480xf32, #tpu.memory_space<vmem>>, vector<16xf32>,
      tpu.vector_store %arg8[%parallel_loop3A_87], %broadcast_in_dim3A_5 {strides = array<i32>} : memref<20480xf32, #tpu.memory_space<vmem>>, vector<16xf32>,
      %parallel_loop3A_89 = arith.constant 64 : i32
      %parallel_loop3A_90 = arith.muli %parallel_loop3A_76, %parallel_loop3A_89 : i32
      %parallel_loop3A_91 = arith.constant 32 : i32
      %parallel_loop3A_92 = arith.addi %parallel_loop3A_90, %parallel_loop3A_91 : i32
      %parallel_loop3A_93 = arith.index_cast %parallel_loop3A_92 : i32 to index
      %parallel_loop3A_94 = tpu.vector_load %arg8[%parallel_loop3A_93] {strides = array<i32>} : memref<20480xf32, #tpu.memory_space<vmem>>, vector<16xf32>,
      tpu.vector_store %arg8[%parallel_loop3A_93], %broadcast_in_dim3A_5 {strides = array<i32>} : memref<20480xf32, #tpu.memory_space<vmem>>, vector<16xf32>,
      %parallel_loop3A_95 = arith.constant 64 : i32
      %parallel_loop3A_96 = arith.muli %parallel_loop3A_76, %parallel_loop3A_95 : i32
      %parallel_loop3A_97 = arith.constant 48 : i32
      %parallel_loop3A_98 = arith.addi %parallel_loop3A_96, %parallel_loop3A_97 : i32
      %parallel_loop3A_99 = arith.index_cast %parallel_loop3A_98 : i32 to index
      %parallel_loop3A_100 = tpu.vector_load %arg8[%parallel_loop3A_99] {strides = array<i32>} : memref<20480xf32, #tpu.memory_space<vmem>>, vector<16xf32>,
      tpu.vector_store %arg8[%parallel_loop3A_99], %broadcast_in_dim3A_5 {strides = array<i32>} : memref<20480xf32, #tpu.memory_space<vmem>>, vector<16xf32>,
    } {sc.loop_unroll_factor = 1 : i64, sc.parallel_access}
    %parallel_loop3A_26 = arith.constant 0 : i32
    %parallel_loop3A_27 = arith.constant 320 : i32
    %parallel_loop3A_28 = arith.constant 1 : i32
    scf.for %parallel_loop3A_76 = %parallel_loop3A_26 to %parallel_loop3A_27 step %parallel_loop3A_28  : i32 {
      %parallel_loop3A_77 = arith.constant 64 : i32
      %parallel_loop3A_78 = arith.muli %parallel_loop3A_76, %parallel_loop3A_77 : i32
      %parallel_loop3A_79 = arith.constant 0 : i32
      %parallel_loop3A_80 = arith.addi %parallel_loop3A_78, %parallel_loop3A_79 : i32
      %parallel_loop3A_81 = arith.index_cast %parallel_loop3A_80 : i32 to index
      %parallel_loop3A_82 = tpu.vector_load %arg9[%parallel_loop3A_81] {strides = array<i32>} : memref<20480xf32, #tpu.memory_space<vmem>>, vector<16xf32>,
      tpu.vector_store %arg9[%parallel_loop3A_81], %broadcast_in_dim3A_5 {strides = array<i32>} : memref<20480xf32, #tpu.memory_space<vmem>>, vector<16xf32>,
      %parallel_loop3A_83 = arith.constant 64 : i32
      %parallel_loop3A_84 = arith.muli %parallel_loop3A_76, %parallel_loop3A_83 : i32
      %parallel_loop3A_85 = arith.constant 16 : i32
      %parallel_loop3A_86 = arith.addi %parallel_loop3A_84, %parallel_loop3A_85 : i32
      %parallel_loop3A_87 = arith.index_cast %parallel_loop3A_86 : i32 to index
      %parallel_loop3A_88 = tpu.vector_load %arg9[%parallel_loop3A_87] {strides = array<i32>} : memref<20480xf32, #tpu.memory_space<vmem>>, vector<16xf32>,
      tpu.vector_store %arg9[%parallel_loop3A_87], %broadcast_in_dim3A_5 {strides = array<i32>} : memref<20480xf32, #tpu.memory_space<vmem>>, vector<16xf32>,
      %parallel_loop3A_89 = arith.constant 64 : i32
      %parallel_loop3A_90 = arith.muli %parallel_loop3A_76, %parallel_loop3A_89 : i32
      %parallel_loop3A_91 = arith.constant 32 : i32
      %parallel_loop3A_92 = arith.addi %parallel_loop3A_90, %parallel_loop3A_91 : i32
      %parallel_loop3A_93 = arith.index_cast %parallel_loop3A_92 : i32 to index
      %parallel_loop3A_94 = tpu.vector_load %arg9[%parallel_loop3A_93] {strides = array<i32>} : memref<20480xf32, #tpu.memory_space<vmem>>, vector<16xf32>,
      tpu.vector_store %arg9[%parallel_loop3A_93], %broadcast_in_dim3A_5 {strides = array<i32>} : memref<20480xf32, #tpu.memory_space<vmem>>, vector<16xf32>,
      %parallel_loop3A_95 = arith.constant 64 : i32
      %parallel_loop3A_96 = arith.muli %parallel_loop3A_76, %parallel_loop3A_95 : i32
      %parallel_loop3A_97 = arith.constant 48 : i32
      %parallel_loop3A_98 = arith.addi %parallel_loop3A_96, %parallel_loop3A_97 : i32
      %parallel_loop3A_99 = arith.index_cast %parallel_loop3A_98 : i32 to index
      %parallel_loop3A_100 = tpu.vector_load %arg9[%parallel_loop3A_99] {strides = array<i32>} : memref<20480xf32, #tpu.memory_space<vmem>>, vector<16xf32>,
      tpu.vector_store %arg9[%parallel_loop3A_99], %broadcast_in_dim3A_5 {strides = array<i32>} : memref<20480xf32, #tpu.memory_space<vmem>>, vector<16xf32>,
    } {sc.loop_unroll_factor = 1 : i64, sc.parallel_access}
    %ne3A_29 = arith.constant 15 : i32
    %ne3A_30 = arith.cmpi ne, %arg1, %ne3A_29 : i32
    %convert_element_type3A_31 = arith.extui %ne3A_30 : i1 to i32
    %cond3A_32 = arith.constant 0 : i32
    %cond3A_33 = arith.cmpi ne, %convert_element_type3A_31, %cond3A_32 : i32
    scf.if %cond3A_33 {
      %dma_wait3A = arith.constant 1 : i32
      %dma_wait3A_76 = tpu.memref_slice %arg2[%dma_wait3A, %mul3A_13] : memref<2x320000xi32, #tpu.memory_space<hbm>> -> memref<1x20480xi32, #tpu.memory_space<hbm>>
      %dma_wait3A_77 = tpu.memref_squeeze %dma_wait3A_76 : memref<1x20480xi32, #tpu.memory_space<hbm>> -> memref<20480xi32, #tpu.memory_space<hbm>>
      %dma_wait3A_78 = tpu.memref_slice %arg2[%dma_wait3A, %mul3A_13] : memref<2x320000xi32, #tpu.memory_space<hbm>> -> memref<1x20480xi32, #tpu.memory_space<hbm>>
      %dma_wait3A_79 = tpu.memref_squeeze %dma_wait3A_78 : memref<1x20480xi32, #tpu.memory_space<hbm>> -> memref<20480xi32, #tpu.memory_space<hbm>>
      tpu.wait_dma2 semaphore(%arg12 : memref<!tpu.dma_semaphore, #tpu.memory_space<semaphore_mem>>) src(%dma_wait3A_79 : memref<20480xi32, #tpu.memory_space<hbm>>) dst(%arg5 : memref<20480xi32, #tpu.memory_space<vmem>>)
      %dma_wait3A_80 = tpu.memref_slice %arg3[%mul3A_13] : memref<320000xi32, #tpu.memory_space<hbm>> -> memref<20480xi32, #tpu.memory_space<hbm>>
      %dma_wait3A_81 = tpu.memref_slice %arg3[%mul3A_13] : memref<320000xi32, #tpu.memory_space<hbm>> -> memref<20480xi32, #tpu.memory_space<hbm>>
      tpu.wait_dma2 semaphore(%arg12 : memref<!tpu.dma_semaphore, #tpu.memory_space<semaphore_mem>>) src(%dma_wait3A_81 : memref<20480xi32, #tpu.memory_space<hbm>>) dst(%arg6 : memref<20480xi32, #tpu.memory_space<vmem>>)
    } else {
    }
    %eq3A_34 = arith.constant 15 : i32
    %eq3A_35 = arith.cmpi eq, %arg1, %eq3A_34 : i32
    %convert_element_type3A_36 = arith.extui %eq3A_35 : i1 to i32
    %cond3A_37 = arith.constant 0 : i32
    %cond3A_38 = arith.cmpi ne, %convert_element_type3A_36, %cond3A_37 : i32
    scf.if %cond3A_38 {
      %dma_wait3A = arith.constant 1 : i32
      %dma_wait3A_76 = arith.constant 0 : i32
      %dma_wait3A_77 = tpu.memref_slice %arg5[%dma_wait3A_76] : memref<20480xi32, #tpu.memory_space<vmem>> -> memref<12800xi32, #tpu.memory_space<vmem>>
      %dma_wait3A_78 = arith.constant 307200 : i32
      %dma_wait3A_79 = tpu.memref_slice %arg2[%dma_wait3A, %dma_wait3A_78] : memref<2x320000xi32, #tpu.memory_space<hbm>> -> memref<1x12800xi32, #tpu.memory_space<hbm>>
      %dma_wait3A_80 = tpu.memref_squeeze %dma_wait3A_79 : memref<1x12800xi32, #tpu.memory_space<hbm>> -> memref<12800xi32, #tpu.memory_space<hbm>>
      %dma_wait3A_81 = arith.constant 0 : i32
      %dma_wait3A_82 = tpu.memref_slice %arg5[%dma_wait3A_81] : memref<20480xi32, #tpu.memory_space<vmem>> -> memref<12800xi32, #tpu.memory_space<vmem>>
      %dma_wait3A_83 = arith.constant 307200 : i32
      %dma_wait3A_84 = tpu.memref_slice %arg2[%dma_wait3A, %dma_wait3A_83] : memref<2x320000xi32, #tpu.memory_space<hbm>> -> memref<1x12800xi32, #tpu.memory_space<hbm>>
      %dma_wait3A_85 = tpu.memref_squeeze %dma_wait3A_84 : memref<1x12800xi32, #tpu.memory_space<hbm>> -> memref<12800xi32, #tpu.memory_space<hbm>>
      tpu.wait_dma2 semaphore(%arg12 : memref<!tpu.dma_semaphore, #tpu.memory_space<semaphore_mem>>) src(%dma_wait3A_85 : memref<12800xi32, #tpu.memory_space<hbm>>) dst(%dma_wait3A_82 : memref<12800xi32, #tpu.memory_space<vmem>>)
      %dma_wait3A_86 = arith.constant 0 : i32
      %dma_wait3A_87 = tpu.memref_slice %arg6[%dma_wait3A_86] : memref<20480xi32, #tpu.memory_space<vmem>> -> memref<12800xi32, #tpu.memory_space<vmem>>
      %dma_wait3A_88 = arith.constant 307200 : i32
      %dma_wait3A_89 = tpu.memref_slice %arg3[%dma_wait3A_88] : memref<320000xi32, #tpu.memory_space<hbm>> -> memref<12800xi32, #tpu.memory_space<hbm>>
      %dma_wait3A_90 = arith.constant 0 : i32
      %dma_wait3A_91 = tpu.memref_slice %arg6[%dma_wait3A_90] : memref<20480xi32, #tpu.memory_space<vmem>> -> memref<12800xi32, #tpu.memory_space<vmem>>
      %dma_wait3A_92 = arith.constant 307200 : i32
      %dma_wait3A_93 = tpu.memref_slice %arg3[%dma_wait3A_92] : memref<320000xi32, #tpu.memory_space<hbm>> -> memref<12800xi32, #tpu.memory_space<hbm>>
      tpu.wait_dma2 semaphore(%arg12 : memref<!tpu.dma_semaphore, #tpu.memory_space<semaphore_mem>>) src(%dma_wait3A_93 : memref<12800xi32, #tpu.memory_space<hbm>>) dst(%dma_wait3A_91 : memref<12800xi32, #tpu.memory_space<vmem>>)
      %iota3A = tpu.iota {dimensions = array<i32: 0>} : vector<16xi32>
      %rem3A = arith.constant 240 : i32
      %rem3A_94 = vector.broadcast %rem3A : i32 to vector<16xi32>
      %rem3A_95 = arith.remsi %iota3A, %rem3A_94 : vector<16xi32>
      %add3A_96 = arith.constant 10000 : i32
      %add3A_97 = vector.broadcast %add3A_96 : i32 to vector<16xi32>
      %add3A_98 = arith.addi %add3A_97, %rem3A_95 : vector<16xi32>
      %broadcast_in_dim3A_99 = arith.constant 0 : i32
      %broadcast_in_dim3A_100 = vector.broadcast %broadcast_in_dim3A_99 : i32 to vector<16xi32>
      %parallel_loop3A_101 = arith.constant 0 : i32
      %parallel_loop3A_102 = arith.constant 480 : i32
      %parallel_loop3A_103 = arith.constant 1 : i32
      scf.for %parallel_loop3A_104 = %parallel_loop3A_101 to %parallel_loop3A_102 step %parallel_loop3A_103  : i32 {
        %parallel_loop3A_105 = arith.constant 16 : i32
        %parallel_loop3A_106 = arith.muli %parallel_loop3A_104, %parallel_loop3A_105 : i32
        %parallel_loop3A_107 = arith.constant 12800 : i32
        %parallel_loop3A_108 = arith.addi %parallel_loop3A_107, %parallel_loop3A_106 : i32
        %parallel_loop3A_109 = arith.constant 16 : i32
        %parallel_loop3A_110 = arith.muli %parallel_loop3A_104, %parallel_loop3A_109 : i32
        %parallel_loop3A_111 = vector.broadcast %parallel_loop3A_110 : i32 to vector<16xi32>
        %parallel_loop3A_112 = arith.addi %add3A_98, %parallel_loop3A_111 : vector<16xi32>
        %parallel_loop3A_113 = arith.constant 10000 : i32
        %parallel_loop3A_114 = vector.broadcast %parallel_loop3A_113 : i32 to vector<16xi32>
        %parallel_loop3A_115 = arith.subi %parallel_loop3A_112, %parallel_loop3A_114 : vector<16xi32>
        %parallel_loop3A_116 = arith.constant 240 : i32
        %parallel_loop3A_117 = vector.broadcast %parallel_loop3A_116 : i32 to vector<16xi32>
        %parallel_loop3A_118 = arith.remsi %parallel_loop3A_115, %parallel_loop3A_117 : vector<16xi32>
        %parallel_loop3A_119 = arith.constant 10000 : i32
        %parallel_loop3A_120 = vector.broadcast %parallel_loop3A_119 : i32 to vector<16xi32>
        %parallel_loop3A_121 = arith.addi %parallel_loop3A_120, %parallel_loop3A_118 : vector<16xi32>
        %parallel_loop3A_122 = arith.index_cast %parallel_loop3A_108 : i32 to index
        %parallel_loop3A_123 = tpu.vector_load %arg5[%parallel_loop3A_122] {strides = array<i32>} : memref<20480xi32, #tpu.memory_space<vmem>>, vector<16xi32>,
        tpu.vector_store %arg5[%parallel_loop3A_122], %parallel_loop3A_121 {strides = array<i32>} : memref<20480xi32, #tpu.memory_space<vmem>>, vector<16xi32>,
        %parallel_loop3A_124 = arith.index_cast %parallel_loop3A_108 : i32 to index
        %parallel_loop3A_125 = tpu.vector_load %arg6[%parallel_loop3A_124] {strides = array<i32>} : memref<20480xi32, #tpu.memory_space<vmem>>, vector<16xi32>,
        tpu.vector_store %arg6[%parallel_loop3A_124], %broadcast_in_dim3A_100 {strides = array<i32>} : memref<20480xi32, #tpu.memory_space<vmem>>, vector<16xi32>,
      } {sc.loop_unroll_factor = 1 : i64, sc.parallel_access}
    } else {
    }
    %parallel_loop3A_39 = arith.constant 0 : i32
    %parallel_loop3A_40 = arith.constant 320 : i32
    %parallel_loop3A_41 = arith.constant 1 : i32
    "tpu.trace_start"() <{level = 10 : i32, message = "hist_a"}> : () -> ()
    scf.for %parallel_loop3A_76 = %parallel_loop3A_39 to %parallel_loop3A_40 step %parallel_loop3A_41  : i32 {
      %parallel_loop3A_77 = arith.constant 64 : i32
      %parallel_loop3A_78 = arith.muli %parallel_loop3A_76, %parallel_loop3A_77 : i32
      %parallel_loop3A_79 = arith.constant 0 : i32
      %parallel_loop3A_80 = arith.addi %parallel_loop3A_78, %parallel_loop3A_79 : i32
      %parallel_loop3A_81 = arith.index_cast %parallel_loop3A_80 : i32 to index
      %parallel_loop3A_82 = tpu.vector_load %arg5[%parallel_loop3A_81] {strides = array<i32>} : memref<20480xi32, #tpu.memory_space<vmem>>, vector<16xi32>,
      %parallel_loop3A_83 = arith.index_cast %parallel_loop3A_80 : i32 to index
      %parallel_loop3A_84 = tpu.vector_load %arg6[%parallel_loop3A_83] {strides = array<i32>} : memref<20480xi32, #tpu.memory_space<vmem>>, vector<16xi32>,
      %parallel_loop3A_85 = arith.constant 10240 : i32
      %parallel_loop3A_86 = vector.broadcast %parallel_loop3A_85 : i32 to vector<16xi32>
      %parallel_loop3A_87 = arith.muli %parallel_loop3A_84, %parallel_loop3A_86 : vector<16xi32>
      %parallel_loop3A_88 = arith.addi %parallel_loop3A_87, %parallel_loop3A_82 : vector<16xi32>
      tpu.vector_store_idx %arg8[%parallel_loop3A_88], %broadcast_in_dim3A_3 {add = true} : memref<20480xf32, #tpu.memory_space<vmem>>[vector<16xi32>], vector<16xf32>,
      %parallel_loop3A_89 = arith.constant 64 : i32
      %parallel_loop3A_90 = arith.muli %parallel_loop3A_76, %parallel_loop3A_89 : i32
      %parallel_loop3A_91 = arith.constant 16 : i32
      %parallel_loop3A_92 = arith.addi %parallel_loop3A_90, %parallel_loop3A_91 : i32
      %parallel_loop3A_93 = arith.index_cast %parallel_loop3A_92 : i32 to index
      %parallel_loop3A_94 = tpu.vector_load %arg5[%parallel_loop3A_93] {strides = array<i32>} : memref<20480xi32, #tpu.memory_space<vmem>>, vector<16xi32>,
      %parallel_loop3A_95 = arith.index_cast %parallel_loop3A_92 : i32 to index
      %parallel_loop3A_96 = tpu.vector_load %arg6[%parallel_loop3A_95] {strides = array<i32>} : memref<20480xi32, #tpu.memory_space<vmem>>, vector<16xi32>,
      %parallel_loop3A_97 = arith.constant 10240 : i32
      %parallel_loop3A_98 = vector.broadcast %parallel_loop3A_97 : i32 to vector<16xi32>
      %parallel_loop3A_99 = arith.muli %parallel_loop3A_96, %parallel_loop3A_98 : vector<16xi32>
      %parallel_loop3A_100 = arith.addi %parallel_loop3A_99, %parallel_loop3A_94 : vector<16xi32>
      tpu.vector_store_idx %arg8[%parallel_loop3A_100], %broadcast_in_dim3A_3 {add = true} : memref<20480xf32, #tpu.memory_space<vmem>>[vector<16xi32>], vector<16xf32>,
      %parallel_loop3A_101 = arith.constant 64 : i32
      %parallel_loop3A_102 = arith.muli %parallel_loop3A_76, %parallel_loop3A_101 : i32
      %parallel_loop3A_103 = arith.constant 32 : i32
      %parallel_loop3A_104 = arith.addi %parallel_loop3A_102, %parallel_loop3A_103 : i32
      %parallel_loop3A_105 = arith.index_cast %parallel_loop3A_104 : i32 to index
      %parallel_loop3A_106 = tpu.vector_load %arg5[%parallel_loop3A_105] {strides = array<i32>} : memref<20480xi32, #tpu.memory_space<vmem>>, vector<16xi32>,
      %parallel_loop3A_107 = arith.index_cast %parallel_loop3A_104 : i32 to index
      %parallel_loop3A_108 = tpu.vector_load %arg6[%parallel_loop3A_107] {strides = array<i32>} : memref<20480xi32, #tpu.memory_space<vmem>>, vector<16xi32>,
      %parallel_loop3A_109 = arith.constant 10240 : i32
      %parallel_loop3A_110 = vector.broadcast %parallel_loop3A_109 : i32 to vector<16xi32>
      %parallel_loop3A_111 = arith.muli %parallel_loop3A_108, %parallel_loop3A_110 : vector<16xi32>
      %parallel_loop3A_112 = arith.addi %parallel_loop3A_111, %parallel_loop3A_106 : vector<16xi32>
      tpu.vector_store_idx %arg8[%parallel_loop3A_112], %broadcast_in_dim3A_3 {add = true} : memref<20480xf32, #tpu.memory_space<vmem>>[vector<16xi32>], vector<16xf32>,
      %parallel_loop3A_113 = arith.constant 64 : i32
      %parallel_loop3A_114 = arith.muli %parallel_loop3A_76, %parallel_loop3A_113 : i32
      %parallel_loop3A_115 = arith.constant 48 : i32
      %parallel_loop3A_116 = arith.addi %parallel_loop3A_114, %parallel_loop3A_115 : i32
      %parallel_loop3A_117 = arith.index_cast %parallel_loop3A_116 : i32 to index
      %parallel_loop3A_118 = tpu.vector_load %arg5[%parallel_loop3A_117] {strides = array<i32>} : memref<20480xi32, #tpu.memory_space<vmem>>, vector<16xi32>,
      %parallel_loop3A_119 = arith.index_cast %parallel_loop3A_116 : i32 to index
      %parallel_loop3A_120 = tpu.vector_load %arg6[%parallel_loop3A_119] {strides = array<i32>} : memref<20480xi32, #tpu.memory_space<vmem>>, vector<16xi32>,
      %parallel_loop3A_121 = arith.constant 10240 : i32
      %parallel_loop3A_122 = vector.broadcast %parallel_loop3A_121 : i32 to vector<16xi32>
      %parallel_loop3A_123 = arith.muli %parallel_loop3A_120, %parallel_loop3A_122 : vector<16xi32>
      %parallel_loop3A_124 = arith.addi %parallel_loop3A_123, %parallel_loop3A_118 : vector<16xi32>
      tpu.vector_store_idx %arg8[%parallel_loop3A_124], %broadcast_in_dim3A_3 {add = true} : memref<20480xf32, #tpu.memory_space<vmem>>[vector<16xi32>], vector<16xf32>,
    } {sc.loop_unroll_factor = 1 : i64, sc.parallel_access}
    "tpu.trace_stop"() : () -> ()
    "tpu.trace_start"() <{level = 10 : i32, message = "reduce_hist"}> : () -> ()
    "tpu.region"() ({
      %run_scoped3A_76 = tpu.sem_alloc : memref<!tpu.dma_semaphore, #tpu.memory_space<semaphore_mem>>
      %dma_start3A = arith.constant 0 : i32
      %dma_start3A_77 = tpu.memref_slice %arg8[%dma_start3A] : memref<20480xf32, #tpu.memory_space<vmem>> -> memref<10240xf32, #tpu.memory_space<vmem>>
      %dma_start3A_78 = arith.constant 0 : i32
      %dma_start3A_79 = tpu.memref_slice %arg14[%arg1, %dma_start3A_78] : memref<16x10240xf32, #tpu.memory_space<vmem_shared>> -> memref<1x10240xf32, #tpu.memory_space<vmem_shared>>
      %dma_start3A_80 = tpu.memref_squeeze %dma_start3A_79 : memref<1x10240xf32, #tpu.memory_space<vmem_shared>> -> memref<10240xf32, #tpu.memory_space<vmem_shared>>
      %dma_start3A_81 = arith.constant 0 : i32
      %dma_start3A_82 = tpu.memref_slice %arg14[%arg1, %dma_start3A_81] : memref<16x10240xf32, #tpu.memory_space<vmem_shared>> -> memref<1x10240xf32, #tpu.memory_space<vmem_shared>>
      %dma_start3A_83 = tpu.memref_squeeze %dma_start3A_82 : memref<1x10240xf32, #tpu.memory_space<vmem_shared>> -> memref<10240xf32, #tpu.memory_space<vmem_shared>>
      %dma_start3A_84 = arith.constant 0 : i32
      %dma_start3A_85 = tpu.memref_slice %arg8[%dma_start3A_84] : memref<20480xf32, #tpu.memory_space<vmem>> -> memref<10240xf32, #tpu.memory_space<vmem>>
      tpu.enqueue_dma source(%dma_start3A_85 : memref<10240xf32, #tpu.memory_space<vmem>>) target(%dma_start3A_83 : memref<10240xf32, #tpu.memory_space<vmem_shared>>) target_semaphore(%run_scoped3A_76 : memref<!tpu.dma_semaphore, #tpu.memory_space<semaphore_mem>>)
      %dma_wait3A = arith.constant 0 : i32
      %dma_wait3A_86 = tpu.memref_slice %arg8[%dma_wait3A] : memref<20480xf32, #tpu.memory_space<vmem>> -> memref<10240xf32, #tpu.memory_space<vmem>>
      %dma_wait3A_87 = arith.constant 0 : i32
      %dma_wait3A_88 = tpu.memref_slice %arg14[%arg1, %dma_wait3A_87] : memref<16x10240xf32, #tpu.memory_space<vmem_shared>> -> memref<1x10240xf32, #tpu.memory_space<vmem_shared>>
      %dma_wait3A_89 = tpu.memref_squeeze %dma_wait3A_88 : memref<1x10240xf32, #tpu.memory_space<vmem_shared>> -> memref<10240xf32, #tpu.memory_space<vmem_shared>>
      %dma_wait3A_90 = arith.constant 0 : i32
      %dma_wait3A_91 = tpu.memref_slice %arg14[%arg1, %dma_wait3A_90] : memref<16x10240xf32, #tpu.memory_space<vmem_shared>> -> memref<1x10240xf32, #tpu.memory_space<vmem_shared>>
      %dma_wait3A_92 = tpu.memref_squeeze %dma_wait3A_91 : memref<1x10240xf32, #tpu.memory_space<vmem_shared>> -> memref<10240xf32, #tpu.memory_space<vmem_shared>>
      %dma_wait3A_93 = arith.constant 0 : i32
      %dma_wait3A_94 = tpu.memref_slice %arg8[%dma_wait3A_93] : memref<20480xf32, #tpu.memory_space<vmem>> -> memref<10240xf32, #tpu.memory_space<vmem>>
      tpu.wait_dma2 semaphore(%run_scoped3A_76 : memref<!tpu.dma_semaphore, #tpu.memory_space<semaphore_mem>>) src(%dma_wait3A_94 : memref<10240xf32, #tpu.memory_space<vmem>>) dst(%dma_wait3A_92 : memref<10240xf32, #tpu.memory_space<vmem_shared>>)
      tpu.yield
    }) : () -> ()
    %barrier3A = arith.constant 0 : index
    tpu.barrier barrier_id(%barrier3A)
    %mul3A_42 = arith.constant 640 : i32
    %mul3A_43 = arith.muli %arg1, %mul3A_42 : i32
    "tpu.region"() ({
      %run_scoped3A_76 = tpu.sem_alloc : memref<!tpu.dma_semaphore, #tpu.memory_space<semaphore_mem>>
      %dma_start3A = arith.constant 0 : i32
      %dma_start3A_77 = tpu.memref_slice %arg14[%dma_start3A, %mul3A_43] : memref<16x10240xf32, #tpu.memory_space<vmem_shared>> -> memref<16x640xf32, #tpu.memory_space<vmem_shared>>
      %dma_start3A_78 = arith.constant 0 : i32
      %dma_start3A_79 = tpu.memref_slice %arg14[%dma_start3A_78, %mul3A_43] : memref<16x10240xf32, #tpu.memory_space<vmem_shared>> -> memref<16x640xf32, #tpu.memory_space<vmem_shared>>
      tpu.enqueue_dma source(%dma_start3A_79 : memref<16x640xf32, #tpu.memory_space<vmem_shared>>) target(%arg10 : memref<16x640xf32, #tpu.memory_space<vmem>>) target_semaphore(%run_scoped3A_76 : memref<!tpu.dma_semaphore, #tpu.memory_space<semaphore_mem>>)
      %dma_wait3A = arith.constant 0 : i32
      %dma_wait3A_80 = tpu.memref_slice %arg14[%dma_wait3A, %mul3A_43] : memref<16x10240xf32, #tpu.memory_space<vmem_shared>> -> memref<16x640xf32, #tpu.memory_space<vmem_shared>>
      %dma_wait3A_81 = arith.constant 0 : i32
      %dma_wait3A_82 = tpu.memref_slice %arg14[%dma_wait3A_81, %mul3A_43] : memref<16x10240xf32, #tpu.memory_space<vmem_shared>> -> memref<16x640xf32, #tpu.memory_space<vmem_shared>>
      tpu.wait_dma2 semaphore(%run_scoped3A_76 : memref<!tpu.dma_semaphore, #tpu.memory_space<semaphore_mem>>) src(%dma_wait3A_82 : memref<16x640xf32, #tpu.memory_space<vmem_shared>>) dst(%arg10 : memref<16x640xf32, #tpu.memory_space<vmem>>)
      tpu.yield
    }) : () -> ()
    %parallel_loop3A_44 = arith.constant 0 : i32
    %parallel_loop3A_45 = arith.constant 40 : i32
    %parallel_loop3A_46 = arith.constant 1 : i32
    scf.for %parallel_loop3A_76 = %parallel_loop3A_44 to %parallel_loop3A_45 step %parallel_loop3A_46  : i32 {
      %parallel_loop3A_77 = arith.constant 16 : i32
      %parallel_loop3A_78 = arith.muli %parallel_loop3A_76, %parallel_loop3A_77 : i32
      %parallel_loop3A_79 = arith.constant 0 : i32
      %parallel_loop3A_80 = arith.index_cast %parallel_loop3A_79 : i32 to index
      %parallel_loop3A_81 = arith.index_cast %parallel_loop3A_78 : i32 to index
      %parallel_loop3A_82 = tpu.vector_load %arg10[%parallel_loop3A_80, %parallel_loop3A_81] {strides = array<i32>} : memref<16x640xf32, #tpu.memory_space<vmem>>, vector<16xf32>,
      %parallel_loop3A_83 = arith.constant 16 : i32
      %parallel_loop3A_84 = arith.muli %parallel_loop3A_76, %parallel_loop3A_83 : i32
      %parallel_loop3A_85 = arith.constant 1 : i32
      %parallel_loop3A_86 = arith.index_cast %parallel_loop3A_85 : i32 to index
      %parallel_loop3A_87 = arith.index_cast %parallel_loop3A_84 : i32 to index
      %parallel_loop3A_88 = tpu.vector_load %arg10[%parallel_loop3A_86, %parallel_loop3A_87] {strides = array<i32>} : memref<16x640xf32, #tpu.memory_space<vmem>>, vector<16xf32>,
      %parallel_loop3A_89 = arith.addf %parallel_loop3A_82, %parallel_loop3A_88 : vector<16xf32>
      %parallel_loop3A_90 = arith.constant 16 : i32
      %parallel_loop3A_91 = arith.muli %parallel_loop3A_76, %parallel_loop3A_90 : i32
      %parallel_loop3A_92 = arith.constant 2 : i32
      %parallel_loop3A_93 = arith.index_cast %parallel_loop3A_92 : i32 to index
      %parallel_loop3A_94 = arith.index_cast %parallel_loop3A_91 : i32 to index
      %parallel_loop3A_95 = tpu.vector_load %arg10[%parallel_loop3A_93, %parallel_loop3A_94] {strides = array<i32>} : memref<16x640xf32, #tpu.memory_space<vmem>>, vector<16xf32>,
      %parallel_loop3A_96 = arith.addf %parallel_loop3A_89, %parallel_loop3A_95 : vector<16xf32>
      %parallel_loop3A_97 = arith.constant 16 : i32
      %parallel_loop3A_98 = arith.muli %parallel_loop3A_76, %parallel_loop3A_97 : i32
      %parallel_loop3A_99 = arith.constant 3 : i32
      %parallel_loop3A_100 = arith.index_cast %parallel_loop3A_99 : i32 to index
      %parallel_loop3A_101 = arith.index_cast %parallel_loop3A_98 : i32 to index
      %parallel_loop3A_102 = tpu.vector_load %arg10[%parallel_loop3A_100, %parallel_loop3A_101] {strides = array<i32>} : memref<16x640xf32, #tpu.memory_space<vmem>>, vector<16xf32>,
      %parallel_loop3A_103 = arith.addf %parallel_loop3A_96, %parallel_loop3A_102 : vector<16xf32>
      %parallel_loop3A_104 = arith.constant 16 : i32
      %parallel_loop3A_105 = arith.muli %parallel_loop3A_76, %parallel_loop3A_104 : i32
      %parallel_loop3A_106 = arith.constant 4 : i32
      %parallel_loop3A_107 = arith.index_cast %parallel_loop3A_106 : i32 to index
      %parallel_loop3A_108 = arith.index_cast %parallel_loop3A_105 : i32 to index
      %parallel_loop3A_109 = tpu.vector_load %arg10[%parallel_loop3A_107, %parallel_loop3A_108] {strides = array<i32>} : memref<16x640xf32, #tpu.memory_space<vmem>>, vector<16xf32>,
      %parallel_loop3A_110 = arith.addf %parallel_loop3A_103, %parallel_loop3A_109 : vector<16xf32>
      %parallel_loop3A_111 = arith.constant 16 : i32
      %parallel_loop3A_112 = arith.muli %parallel_loop3A_76, %parallel_loop3A_111 : i32
      %parallel_loop3A_113 = arith.constant 5 : i32
      %parallel_loop3A_114 = arith.index_cast %parallel_loop3A_113 : i32 to index
      %parallel_loop3A_115 = arith.index_cast %parallel_loop3A_112 : i32 to index
      %parallel_loop3A_116 = tpu.vector_load %arg10[%parallel_loop3A_114, %parallel_loop3A_115] {strides = array<i32>} : memref<16x640xf32, #tpu.memory_space<vmem>>, vector<16xf32>,
      %parallel_loop3A_117 = arith.addf %parallel_loop3A_110, %parallel_loop3A_116 : vector<16xf32>
      %parallel_loop3A_118 = arith.constant 16 : i32
      %parallel_loop3A_119 = arith.muli %parallel_loop3A_76, %parallel_loop3A_118 : i32
      %parallel_loop3A_120 = arith.constant 6 : i32
      %parallel_loop3A_121 = arith.index_cast %parallel_loop3A_120 : i32 to index
      %parallel_loop3A_122 = arith.index_cast %parallel_loop3A_119 : i32 to index
      %parallel_loop3A_123 = tpu.vector_load %arg10[%parallel_loop3A_121, %parallel_loop3A_122] {strides = array<i32>} : memref<16x640xf32, #tpu.memory_space<vmem>>, vector<16xf32>,
      %parallel_loop3A_124 = arith.addf %parallel_loop3A_117, %parallel_loop3A_123 : vector<16xf32>
      %parallel_loop3A_125 = arith.constant 16 : i32
      %parallel_loop3A_126 = arith.muli %parallel_loop3A_76, %parallel_loop3A_125 : i32
      %parallel_loop3A_127 = arith.constant 7 : i32
      %parallel_loop3A_128 = arith.index_cast %parallel_loop3A_127 : i32 to index
      %parallel_loop3A_129 = arith.index_cast %parallel_loop3A_126 : i32 to index
      %parallel_loop3A_130 = tpu.vector_load %arg10[%parallel_loop3A_128, %parallel_loop3A_129] {strides = array<i32>} : memref<16x640xf32, #tpu.memory_space<vmem>>, vector<16xf32>,
      %parallel_loop3A_131 = arith.addf %parallel_loop3A_124, %parallel_loop3A_130 : vector<16xf32>
      %parallel_loop3A_132 = arith.constant 16 : i32
      %parallel_loop3A_133 = arith.muli %parallel_loop3A_76, %parallel_loop3A_132 : i32
      %parallel_loop3A_134 = arith.constant 8 : i32
      %parallel_loop3A_135 = arith.index_cast %parallel_loop3A_134 : i32 to index
      %parallel_loop3A_136 = arith.index_cast %parallel_loop3A_133 : i32 to index
      %parallel_loop3A_137 = tpu.vector_load %arg10[%parallel_loop3A_135, %parallel_loop3A_136] {strides = array<i32>} : memref<16x640xf32, #tpu.memory_space<vmem>>, vector<16xf32>,
      %parallel_loop3A_138 = arith.addf %parallel_loop3A_131, %parallel_loop3A_137 : vector<16xf32>
      %parallel_loop3A_139 = arith.constant 16 : i32
      %parallel_loop3A_140 = arith.muli %parallel_loop3A_76, %parallel_loop3A_139 : i32
      %parallel_loop3A_141 = arith.constant 9 : i32
      %parallel_loop3A_142 = arith.index_cast %parallel_loop3A_141 : i32 to index
      %parallel_loop3A_143 = arith.index_cast %parallel_loop3A_140 : i32 to index
      %parallel_loop3A_144 = tpu.vector_load %arg10[%parallel_loop3A_142, %parallel_loop3A_143] {strides = array<i32>} : memref<16x640xf32, #tpu.memory_space<vmem>>, vector<16xf32>,
      %parallel_loop3A_145 = arith.addf %parallel_loop3A_138, %parallel_loop3A_144 : vector<16xf32>
      %parallel_loop3A_146 = arith.constant 16 : i32
      %parallel_loop3A_147 = arith.muli %parallel_loop3A_76, %parallel_loop3A_146 : i32
      %parallel_loop3A_148 = arith.constant 10 : i32
      %parallel_loop3A_149 = arith.index_cast %parallel_loop3A_148 : i32 to index
      %parallel_loop3A_150 = arith.index_cast %parallel_loop3A_147 : i32 to index
      %parallel_loop3A_151 = tpu.vector_load %arg10[%parallel_loop3A_149, %parallel_loop3A_150] {strides = array<i32>} : memref<16x640xf32, #tpu.memory_space<vmem>>, vector<16xf32>,
      %parallel_loop3A_152 = arith.addf %parallel_loop3A_145, %parallel_loop3A_151 : vector<16xf32>
      %parallel_loop3A_153 = arith.constant 16 : i32
      %parallel_loop3A_154 = arith.muli %parallel_loop3A_76, %parallel_loop3A_153 : i32
      %parallel_loop3A_155 = arith.constant 11 : i32
      %parallel_loop3A_156 = arith.index_cast %parallel_loop3A_155 : i32 to index
      %parallel_loop3A_157 = arith.index_cast %parallel_loop3A_154 : i32 to index
      %parallel_loop3A_158 = tpu.vector_load %arg10[%parallel_loop3A_156, %parallel_loop3A_157] {strides = array<i32>} : memref<16x640xf32, #tpu.memory_space<vmem>>, vector<16xf32>,
      %parallel_loop3A_159 = arith.addf %parallel_loop3A_152, %parallel_loop3A_158 : vector<16xf32>
      %parallel_loop3A_160 = arith.constant 16 : i32
      %parallel_loop3A_161 = arith.muli %parallel_loop3A_76, %parallel_loop3A_160 : i32
      %parallel_loop3A_162 = arith.constant 12 : i32
      %parallel_loop3A_163 = arith.index_cast %parallel_loop3A_162 : i32 to index
      %parallel_loop3A_164 = arith.index_cast %parallel_loop3A_161 : i32 to index
      %parallel_loop3A_165 = tpu.vector_load %arg10[%parallel_loop3A_163, %parallel_loop3A_164] {strides = array<i32>} : memref<16x640xf32, #tpu.memory_space<vmem>>, vector<16xf32>,
      %parallel_loop3A_166 = arith.addf %parallel_loop3A_159, %parallel_loop3A_165 : vector<16xf32>
      %parallel_loop3A_167 = arith.constant 16 : i32
      %parallel_loop3A_168 = arith.muli %parallel_loop3A_76, %parallel_loop3A_167 : i32
      %parallel_loop3A_169 = arith.constant 13 : i32
      %parallel_loop3A_170 = arith.index_cast %parallel_loop3A_169 : i32 to index
      %parallel_loop3A_171 = arith.index_cast %parallel_loop3A_168 : i32 to index
      %parallel_loop3A_172 = tpu.vector_load %arg10[%parallel_loop3A_170, %parallel_loop3A_171] {strides = array<i32>} : memref<16x640xf32, #tpu.memory_space<vmem>>, vector<16xf32>,
      %parallel_loop3A_173 = arith.addf %parallel_loop3A_166, %parallel_loop3A_172 : vector<16xf32>
      %parallel_loop3A_174 = arith.constant 16 : i32
      %parallel_loop3A_175 = arith.muli %parallel_loop3A_76, %parallel_loop3A_174 : i32
      %parallel_loop3A_176 = arith.constant 14 : i32
      %parallel_loop3A_177 = arith.index_cast %parallel_loop3A_176 : i32 to index
      %parallel_loop3A_178 = arith.index_cast %parallel_loop3A_175 : i32 to index
      %parallel_loop3A_179 = tpu.vector_load %arg10[%parallel_loop3A_177, %parallel_loop3A_178] {strides = array<i32>} : memref<16x640xf32, #tpu.memory_space<vmem>>, vector<16xf32>,
      %parallel_loop3A_180 = arith.addf %parallel_loop3A_173, %parallel_loop3A_179 : vector<16xf32>
      %parallel_loop3A_181 = arith.constant 16 : i32
      %parallel_loop3A_182 = arith.muli %parallel_loop3A_76, %parallel_loop3A_181 : i32
      %parallel_loop3A_183 = arith.constant 15 : i32
      %parallel_loop3A_184 = arith.index_cast %parallel_loop3A_183 : i32 to index
      %parallel_loop3A_185 = arith.index_cast %parallel_loop3A_182 : i32 to index
      %parallel_loop3A_186 = tpu.vector_load %arg10[%parallel_loop3A_184, %parallel_loop3A_185] {strides = array<i32>} : memref<16x640xf32, #tpu.memory_space<vmem>>, vector<16xf32>,
      %parallel_loop3A_187 = arith.addf %parallel_loop3A_180, %parallel_loop3A_186 : vector<16xf32>
      %parallel_loop3A_188 = arith.constant 1.000000e+00 : f32
      %parallel_loop3A_189 = vector.broadcast %parallel_loop3A_188 : f32 to vector<16xf32>
      %parallel_loop3A_190 = arith.maximumf %parallel_loop3A_187, %parallel_loop3A_189 : vector<16xf32>
      %parallel_loop3A_191 = arith.constant 1.000000e+00 : f32
      %parallel_loop3A_192 = vector.broadcast %parallel_loop3A_191 : f32 to vector<16xf32>
      %parallel_loop3A_193 = arith.divf %parallel_loop3A_192, %parallel_loop3A_190 : vector<16xf32>
      %parallel_loop3A_194 = arith.constant 16 : i32
      %parallel_loop3A_195 = arith.muli %parallel_loop3A_76, %parallel_loop3A_194 : i32
      %parallel_loop3A_196 = arith.constant 0 : i32
      %parallel_loop3A_197 = arith.addi %parallel_loop3A_196, %parallel_loop3A_195 : i32
      %parallel_loop3A_198 = arith.index_cast %parallel_loop3A_197 : i32 to index
      %parallel_loop3A_199 = tpu.vector_load %arg11[%parallel_loop3A_198] {strides = array<i32>} : memref<1280xf32, #tpu.memory_space<vmem>>, vector<16xf32>,
      tpu.vector_store %arg11[%parallel_loop3A_198], %parallel_loop3A_193 {strides = array<i32>} : memref<1280xf32, #tpu.memory_space<vmem>>, vector<16xf32>,
    } {sc.loop_unroll_factor = 1 : i64, sc.parallel_access}
    %barrier3A_47 = arith.constant 0 : index
    tpu.barrier barrier_id(%barrier3A_47)
    "tpu.region"() ({
      %run_scoped3A_76 = tpu.sem_alloc : memref<!tpu.dma_semaphore, #tpu.memory_space<semaphore_mem>>
      %dma_start3A = arith.constant 10240 : i32
      %dma_start3A_77 = tpu.memref_slice %arg8[%dma_start3A] : memref<20480xf32, #tpu.memory_space<vmem>> -> memref<10240xf32, #tpu.memory_space<vmem>>
      %dma_start3A_78 = arith.constant 0 : i32
      %dma_start3A_79 = tpu.memref_slice %arg14[%arg1, %dma_start3A_78] : memref<16x10240xf32, #tpu.memory_space<vmem_shared>> -> memref<1x10240xf32, #tpu.memory_space<vmem_shared>>
      %dma_start3A_80 = tpu.memref_squeeze %dma_start3A_79 : memref<1x10240xf32, #tpu.memory_space<vmem_shared>> -> memref<10240xf32, #tpu.memory_space<vmem_shared>>
      %dma_start3A_81 = arith.constant 0 : i32
      %dma_start3A_82 = tpu.memref_slice %arg14[%arg1, %dma_start3A_81] : memref<16x10240xf32, #tpu.memory_space<vmem_shared>> -> memref<1x10240xf32, #tpu.memory_space<vmem_shared>>
      %dma_start3A_83 = tpu.memref_squeeze %dma_start3A_82 : memref<1x10240xf32, #tpu.memory_space<vmem_shared>> -> memref<10240xf32, #tpu.memory_space<vmem_shared>>
      %dma_start3A_84 = arith.constant 10240 : i32
      %dma_start3A_85 = tpu.memref_slice %arg8[%dma_start3A_84] : memref<20480xf32, #tpu.memory_space<vmem>> -> memref<10240xf32, #tpu.memory_space<vmem>>
      tpu.enqueue_dma source(%dma_start3A_85 : memref<10240xf32, #tpu.memory_space<vmem>>) target(%dma_start3A_83 : memref<10240xf32, #tpu.memory_space<vmem_shared>>) target_semaphore(%run_scoped3A_76 : memref<!tpu.dma_semaphore, #tpu.memory_space<semaphore_mem>>)
      %dma_wait3A = arith.constant 10240 : i32
      %dma_wait3A_86 = tpu.memref_slice %arg8[%dma_wait3A] : memref<20480xf32, #tpu.memory_space<vmem>> -> memref<10240xf32, #tpu.memory_space<vmem>>
      %dma_wait3A_87 = arith.constant 0 : i32
      %dma_wait3A_88 = tpu.memref_slice %arg14[%arg1, %dma_wait3A_87] : memref<16x10240xf32, #tpu.memory_space<vmem_shared>> -> memref<1x10240xf32, #tpu.memory_space<vmem_shared>>
      %dma_wait3A_89 = tpu.memref_squeeze %dma_wait3A_88 : memref<1x10240xf32, #tpu.memory_space<vmem_shared>> -> memref<10240xf32, #tpu.memory_space<vmem_shared>>
      %dma_wait3A_90 = arith.constant 0 : i32
      %dma_wait3A_91 = tpu.memref_slice %arg14[%arg1, %dma_wait3A_90] : memref<16x10240xf32, #tpu.memory_space<vmem_shared>> -> memref<1x10240xf32, #tpu.memory_space<vmem_shared>>
      %dma_wait3A_92 = tpu.memref_squeeze %dma_wait3A_91 : memref<1x10240xf32, #tpu.memory_space<vmem_shared>> -> memref<10240xf32, #tpu.memory_space<vmem_shared>>
      %dma_wait3A_93 = arith.constant 10240 : i32
      %dma_wait3A_94 = tpu.memref_slice %arg8[%dma_wait3A_93] : memref<20480xf32, #tpu.memory_space<vmem>> -> memref<10240xf32, #tpu.memory_space<vmem>>
      tpu.wait_dma2 semaphore(%run_scoped3A_76 : memref<!tpu.dma_semaphore, #tpu.memory_space<semaphore_mem>>) src(%dma_wait3A_94 : memref<10240xf32, #tpu.memory_space<vmem>>) dst(%dma_wait3A_92 : memref<10240xf32, #tpu.memory_space<vmem_shared>>)
      tpu.yield
    }) : () -> ()
    %barrier3A_48 = arith.constant 0 : index
    tpu.barrier barrier_id(%barrier3A_48)
    %mul3A_49 = arith.constant 640 : i32
    %mul3A_50 = arith.muli %arg1, %mul3A_49 : i32
    "tpu.region"() ({
      %run_scoped3A_76 = tpu.sem_alloc : memref<!tpu.dma_semaphore, #tpu.memory_space<semaphore_mem>>
      %dma_start3A = arith.constant 0 : i32
      %dma_start3A_77 = tpu.memref_slice %arg14[%dma_start3A, %mul3A_50] : memref<16x10240xf32, #tpu.memory_space<vmem_shared>> -> memref<16x640xf32, #tpu.memory_space<vmem_shared>>
      %dma_start3A_78 = arith.constant 0 : i32
      %dma_start3A_79 = tpu.memref_slice %arg14[%dma_start3A_78, %mul3A_50] : memref<16x10240xf32, #tpu.memory_space<vmem_shared>> -> memref<16x640xf32, #tpu.memory_space<vmem_shared>>
      tpu.enqueue_dma source(%dma_start3A_79 : memref<16x640xf32, #tpu.memory_space<vmem_shared>>) target(%arg10 : memref<16x640xf32, #tpu.memory_space<vmem>>) target_semaphore(%run_scoped3A_76 : memref<!tpu.dma_semaphore, #tpu.memory_space<semaphore_mem>>)
      %dma_wait3A = arith.constant 0 : i32
      %dma_wait3A_80 = tpu.memref_slice %arg14[%dma_wait3A, %mul3A_50] : memref<16x10240xf32, #tpu.memory_space<vmem_shared>> -> memref<16x640xf32, #tpu.memory_space<vmem_shared>>
      %dma_wait3A_81 = arith.constant 0 : i32
      %dma_wait3A_82 = tpu.memref_slice %arg14[%dma_wait3A_81, %mul3A_50] : memref<16x10240xf32, #tpu.memory_space<vmem_shared>> -> memref<16x640xf32, #tpu.memory_space<vmem_shared>>
      tpu.wait_dma2 semaphore(%run_scoped3A_76 : memref<!tpu.dma_semaphore, #tpu.memory_space<semaphore_mem>>) src(%dma_wait3A_82 : memref<16x640xf32, #tpu.memory_space<vmem_shared>>) dst(%arg10 : memref<16x640xf32, #tpu.memory_space<vmem>>)
      tpu.yield
    }) : () -> ()
    %parallel_loop3A_51 = arith.constant 0 : i32
    %parallel_loop3A_52 = arith.constant 40 : i32
    %parallel_loop3A_53 = arith.constant 1 : i32
    scf.for %parallel_loop3A_76 = %parallel_loop3A_51 to %parallel_loop3A_52 step %parallel_loop3A_53  : i32 {
      %parallel_loop3A_77 = arith.constant 16 : i32
      %parallel_loop3A_78 = arith.muli %parallel_loop3A_76, %parallel_loop3A_77 : i32
      %parallel_loop3A_79 = arith.constant 0 : i32
      %parallel_loop3A_80 = arith.index_cast %parallel_loop3A_79 : i32 to index
      %parallel_loop3A_81 = arith.index_cast %parallel_loop3A_78 : i32 to index
      %parallel_loop3A_82 = tpu.vector_load %arg10[%parallel_loop3A_80, %parallel_loop3A_81] {strides = array<i32>} : memref<16x640xf32, #tpu.memory_space<vmem>>, vector<16xf32>,
      %parallel_loop3A_83 = arith.constant 16 : i32
      %parallel_loop3A_84 = arith.muli %parallel_loop3A_76, %parallel_loop3A_83 : i32
      %parallel_loop3A_85 = arith.constant 1 : i32
      %parallel_loop3A_86 = arith.index_cast %parallel_loop3A_85 : i32 to index
      %parallel_loop3A_87 = arith.index_cast %parallel_loop3A_84 : i32 to index
      %parallel_loop3A_88 = tpu.vector_load %arg10[%parallel_loop3A_86, %parallel_loop3A_87] {strides = array<i32>} : memref<16x640xf32, #tpu.memory_space<vmem>>, vector<16xf32>,
      %parallel_loop3A_89 = arith.addf %parallel_loop3A_82, %parallel_loop3A_88 : vector<16xf32>
      %parallel_loop3A_90 = arith.constant 16 : i32
      %parallel_loop3A_91 = arith.muli %parallel_loop3A_76, %parallel_loop3A_90 : i32
      %parallel_loop3A_92 = arith.constant 2 : i32
      %parallel_loop3A_93 = arith.index_cast %parallel_loop3A_92 : i32 to index
      %parallel_loop3A_94 = arith.index_cast %parallel_loop3A_91 : i32 to index
      %parallel_loop3A_95 = tpu.vector_load %arg10[%parallel_loop3A_93, %parallel_loop3A_94] {strides = array<i32>} : memref<16x640xf32, #tpu.memory_space<vmem>>, vector<16xf32>,
      %parallel_loop3A_96 = arith.addf %parallel_loop3A_89, %parallel_loop3A_95 : vector<16xf32>
      %parallel_loop3A_97 = arith.constant 16 : i32
      %parallel_loop3A_98 = arith.muli %parallel_loop3A_76, %parallel_loop3A_97 : i32
      %parallel_loop3A_99 = arith.constant 3 : i32
      %parallel_loop3A_100 = arith.index_cast %parallel_loop3A_99 : i32 to index
      %parallel_loop3A_101 = arith.index_cast %parallel_loop3A_98 : i32 to index
      %parallel_loop3A_102 = tpu.vector_load %arg10[%parallel_loop3A_100, %parallel_loop3A_101] {strides = array<i32>} : memref<16x640xf32, #tpu.memory_space<vmem>>, vector<16xf32>,
      %parallel_loop3A_103 = arith.addf %parallel_loop3A_96, %parallel_loop3A_102 : vector<16xf32>
      %parallel_loop3A_104 = arith.constant 16 : i32
      %parallel_loop3A_105 = arith.muli %parallel_loop3A_76, %parallel_loop3A_104 : i32
      %parallel_loop3A_106 = arith.constant 4 : i32
      %parallel_loop3A_107 = arith.index_cast %parallel_loop3A_106 : i32 to index
      %parallel_loop3A_108 = arith.index_cast %parallel_loop3A_105 : i32 to index
      %parallel_loop3A_109 = tpu.vector_load %arg10[%parallel_loop3A_107, %parallel_loop3A_108] {strides = array<i32>} : memref<16x640xf32, #tpu.memory_space<vmem>>, vector<16xf32>,
      %parallel_loop3A_110 = arith.addf %parallel_loop3A_103, %parallel_loop3A_109 : vector<16xf32>
      %parallel_loop3A_111 = arith.constant 16 : i32
      %parallel_loop3A_112 = arith.muli %parallel_loop3A_76, %parallel_loop3A_111 : i32
      %parallel_loop3A_113 = arith.constant 5 : i32
      %parallel_loop3A_114 = arith.index_cast %parallel_loop3A_113 : i32 to index
      %parallel_loop3A_115 = arith.index_cast %parallel_loop3A_112 : i32 to index
      %parallel_loop3A_116 = tpu.vector_load %arg10[%parallel_loop3A_114, %parallel_loop3A_115] {strides = array<i32>} : memref<16x640xf32, #tpu.memory_space<vmem>>, vector<16xf32>,
      %parallel_loop3A_117 = arith.addf %parallel_loop3A_110, %parallel_loop3A_116 : vector<16xf32>
      %parallel_loop3A_118 = arith.constant 16 : i32
      %parallel_loop3A_119 = arith.muli %parallel_loop3A_76, %parallel_loop3A_118 : i32
      %parallel_loop3A_120 = arith.constant 6 : i32
      %parallel_loop3A_121 = arith.index_cast %parallel_loop3A_120 : i32 to index
      %parallel_loop3A_122 = arith.index_cast %parallel_loop3A_119 : i32 to index
      %parallel_loop3A_123 = tpu.vector_load %arg10[%parallel_loop3A_121, %parallel_loop3A_122] {strides = array<i32>} : memref<16x640xf32, #tpu.memory_space<vmem>>, vector<16xf32>,
      %parallel_loop3A_124 = arith.addf %parallel_loop3A_117, %parallel_loop3A_123 : vector<16xf32>
      %parallel_loop3A_125 = arith.constant 16 : i32
      %parallel_loop3A_126 = arith.muli %parallel_loop3A_76, %parallel_loop3A_125 : i32
      %parallel_loop3A_127 = arith.constant 7 : i32
      %parallel_loop3A_128 = arith.index_cast %parallel_loop3A_127 : i32 to index
      %parallel_loop3A_129 = arith.index_cast %parallel_loop3A_126 : i32 to index
      %parallel_loop3A_130 = tpu.vector_load %arg10[%parallel_loop3A_128, %parallel_loop3A_129] {strides = array<i32>} : memref<16x640xf32, #tpu.memory_space<vmem>>, vector<16xf32>,
      %parallel_loop3A_131 = arith.addf %parallel_loop3A_124, %parallel_loop3A_130 : vector<16xf32>
      %parallel_loop3A_132 = arith.constant 16 : i32
      %parallel_loop3A_133 = arith.muli %parallel_loop3A_76, %parallel_loop3A_132 : i32
      %parallel_loop3A_134 = arith.constant 8 : i32
      %parallel_loop3A_135 = arith.index_cast %parallel_loop3A_134 : i32 to index
      %parallel_loop3A_136 = arith.index_cast %parallel_loop3A_133 : i32 to index
      %parallel_loop3A_137 = tpu.vector_load %arg10[%parallel_loop3A_135, %parallel_loop3A_136] {strides = array<i32>} : memref<16x640xf32, #tpu.memory_space<vmem>>, vector<16xf32>,
      %parallel_loop3A_138 = arith.addf %parallel_loop3A_131, %parallel_loop3A_137 : vector<16xf32>
      %parallel_loop3A_139 = arith.constant 16 : i32
      %parallel_loop3A_140 = arith.muli %parallel_loop3A_76, %parallel_loop3A_139 : i32
      %parallel_loop3A_141 = arith.constant 9 : i32
      %parallel_loop3A_142 = arith.index_cast %parallel_loop3A_141 : i32 to index
      %parallel_loop3A_143 = arith.index_cast %parallel_loop3A_140 : i32 to index
      %parallel_loop3A_144 = tpu.vector_load %arg10[%parallel_loop3A_142, %parallel_loop3A_143] {strides = array<i32>} : memref<16x640xf32, #tpu.memory_space<vmem>>, vector<16xf32>,
      %parallel_loop3A_145 = arith.addf %parallel_loop3A_138, %parallel_loop3A_144 : vector<16xf32>
      %parallel_loop3A_146 = arith.constant 16 : i32
      %parallel_loop3A_147 = arith.muli %parallel_loop3A_76, %parallel_loop3A_146 : i32
      %parallel_loop3A_148 = arith.constant 10 : i32
      %parallel_loop3A_149 = arith.index_cast %parallel_loop3A_148 : i32 to index
      %parallel_loop3A_150 = arith.index_cast %parallel_loop3A_147 : i32 to index
      %parallel_loop3A_151 = tpu.vector_load %arg10[%parallel_loop3A_149, %parallel_loop3A_150] {strides = array<i32>} : memref<16x640xf32, #tpu.memory_space<vmem>>, vector<16xf32>,
      %parallel_loop3A_152 = arith.addf %parallel_loop3A_145, %parallel_loop3A_151 : vector<16xf32>
      %parallel_loop3A_153 = arith.constant 16 : i32
      %parallel_loop3A_154 = arith.muli %parallel_loop3A_76, %parallel_loop3A_153 : i32
      %parallel_loop3A_155 = arith.constant 11 : i32
      %parallel_loop3A_156 = arith.index_cast %parallel_loop3A_155 : i32 to index
      %parallel_loop3A_157 = arith.index_cast %parallel_loop3A_154 : i32 to index
      %parallel_loop3A_158 = tpu.vector_load %arg10[%parallel_loop3A_156, %parallel_loop3A_157] {strides = array<i32>} : memref<16x640xf32, #tpu.memory_space<vmem>>, vector<16xf32>,
      %parallel_loop3A_159 = arith.addf %parallel_loop3A_152, %parallel_loop3A_158 : vector<16xf32>
      %parallel_loop3A_160 = arith.constant 16 : i32
      %parallel_loop3A_161 = arith.muli %parallel_loop3A_76, %parallel_loop3A_160 : i32
      %parallel_loop3A_162 = arith.constant 12 : i32
      %parallel_loop3A_163 = arith.index_cast %parallel_loop3A_162 : i32 to index
      %parallel_loop3A_164 = arith.index_cast %parallel_loop3A_161 : i32 to index
      %parallel_loop3A_165 = tpu.vector_load %arg10[%parallel_loop3A_163, %parallel_loop3A_164] {strides = array<i32>} : memref<16x640xf32, #tpu.memory_space<vmem>>, vector<16xf32>,
      %parallel_loop3A_166 = arith.addf %parallel_loop3A_159, %parallel_loop3A_165 : vector<16xf32>
      %parallel_loop3A_167 = arith.constant 16 : i32
      %parallel_loop3A_168 = arith.muli %parallel_loop3A_76, %parallel_loop3A_167 : i32
      %parallel_loop3A_169 = arith.constant 13 : i32
      %parallel_loop3A_170 = arith.index_cast %parallel_loop3A_169 : i32 to index
      %parallel_loop3A_171 = arith.index_cast %parallel_loop3A_168 : i32 to index
      %parallel_loop3A_172 = tpu.vector_load %arg10[%parallel_loop3A_170, %parallel_loop3A_171] {strides = array<i32>} : memref<16x640xf32, #tpu.memory_space<vmem>>, vector<16xf32>,
      %parallel_loop3A_173 = arith.addf %parallel_loop3A_166, %parallel_loop3A_172 : vector<16xf32>
      %parallel_loop3A_174 = arith.constant 16 : i32
      %parallel_loop3A_175 = arith.muli %parallel_loop3A_76, %parallel_loop3A_174 : i32
      %parallel_loop3A_176 = arith.constant 14 : i32
      %parallel_loop3A_177 = arith.index_cast %parallel_loop3A_176 : i32 to index
      %parallel_loop3A_178 = arith.index_cast %parallel_loop3A_175 : i32 to index
      %parallel_loop3A_179 = tpu.vector_load %arg10[%parallel_loop3A_177, %parallel_loop3A_178] {strides = array<i32>} : memref<16x640xf32, #tpu.memory_space<vmem>>, vector<16xf32>,
      %parallel_loop3A_180 = arith.addf %parallel_loop3A_173, %parallel_loop3A_179 : vector<16xf32>
      %parallel_loop3A_181 = arith.constant 16 : i32
      %parallel_loop3A_182 = arith.muli %parallel_loop3A_76, %parallel_loop3A_181 : i32
      %parallel_loop3A_183 = arith.constant 15 : i32
      %parallel_loop3A_184 = arith.index_cast %parallel_loop3A_183 : i32 to index
      %parallel_loop3A_185 = arith.index_cast %parallel_loop3A_182 : i32 to index
      %parallel_loop3A_186 = tpu.vector_load %arg10[%parallel_loop3A_184, %parallel_loop3A_185] {strides = array<i32>} : memref<16x640xf32, #tpu.memory_space<vmem>>, vector<16xf32>,
      %parallel_loop3A_187 = arith.addf %parallel_loop3A_180, %parallel_loop3A_186 : vector<16xf32>
      %parallel_loop3A_188 = arith.constant 1.000000e+00 : f32
      %parallel_loop3A_189 = vector.broadcast %parallel_loop3A_188 : f32 to vector<16xf32>
      %parallel_loop3A_190 = arith.maximumf %parallel_loop3A_187, %parallel_loop3A_189 : vector<16xf32>
      %parallel_loop3A_191 = arith.constant 1.000000e+00 : f32
      %parallel_loop3A_192 = vector.broadcast %parallel_loop3A_191 : f32 to vector<16xf32>
      %parallel_loop3A_193 = arith.divf %parallel_loop3A_192, %parallel_loop3A_190 : vector<16xf32>
      %parallel_loop3A_194 = arith.constant 16 : i32
      %parallel_loop3A_195 = arith.muli %parallel_loop3A_76, %parallel_loop3A_194 : i32
      %parallel_loop3A_196 = arith.constant 640 : i32
      %parallel_loop3A_197 = arith.addi %parallel_loop3A_196, %parallel_loop3A_195 : i32
      %parallel_loop3A_198 = arith.index_cast %parallel_loop3A_197 : i32 to index
      %parallel_loop3A_199 = tpu.vector_load %arg11[%parallel_loop3A_198] {strides = array<i32>} : memref<1280xf32, #tpu.memory_space<vmem>>, vector<16xf32>,
      tpu.vector_store %arg11[%parallel_loop3A_198], %parallel_loop3A_193 {strides = array<i32>} : memref<1280xf32, #tpu.memory_space<vmem>>, vector<16xf32>,
    } {sc.loop_unroll_factor = 1 : i64, sc.parallel_access}
    %barrier3A_54 = arith.constant 0 : index
    tpu.barrier barrier_id(%barrier3A_54)
    %mul3A_55 = arith.constant 640 : i32
    %mul3A_56 = arith.muli %arg1, %mul3A_55 : i32
    %run_scoped3A = arith.constant 0 : i32
    "tpu.region"() ({
      %run_scoped3A_76 = tpu.sem_alloc : memref<!tpu.dma_semaphore, #tpu.memory_space<semaphore_mem>>
      %dma_start3A = arith.constant 0 : i32
      %dma_start3A_77 = tpu.memref_slice %arg11[%dma_start3A] : memref<1280xf32, #tpu.memory_space<vmem>> -> memref<640xf32, #tpu.memory_space<vmem>>
      %dma_start3A_78 = tpu.memref_slice %arg14[%run_scoped3A, %mul3A_56] : memref<16x10240xf32, #tpu.memory_space<vmem_shared>> -> memref<1x640xf32, #tpu.memory_space<vmem_shared>>
      %dma_start3A_79 = tpu.memref_squeeze %dma_start3A_78 : memref<1x640xf32, #tpu.memory_space<vmem_shared>> -> memref<640xf32, #tpu.memory_space<vmem_shared>>
      %dma_start3A_80 = tpu.memref_slice %arg14[%run_scoped3A, %mul3A_56] : memref<16x10240xf32, #tpu.memory_space<vmem_shared>> -> memref<1x640xf32, #tpu.memory_space<vmem_shared>>
      %dma_start3A_81 = tpu.memref_squeeze %dma_start3A_80 : memref<1x640xf32, #tpu.memory_space<vmem_shared>> -> memref<640xf32, #tpu.memory_space<vmem_shared>>
      %dma_start3A_82 = arith.constant 0 : i32
      %dma_start3A_83 = tpu.memref_slice %arg11[%dma_start3A_82] : memref<1280xf32, #tpu.memory_space<vmem>> -> memref<640xf32, #tpu.memory_space<vmem>>
      tpu.enqueue_dma source(%dma_start3A_83 : memref<640xf32, #tpu.memory_space<vmem>>) target(%dma_start3A_81 : memref<640xf32, #tpu.memory_space<vmem_shared>>) target_semaphore(%run_scoped3A_76 : memref<!tpu.dma_semaphore, #tpu.memory_space<semaphore_mem>>)
      %dma_wait3A = arith.constant 0 : i32
      %dma_wait3A_84 = tpu.memref_slice %arg11[%dma_wait3A] : memref<1280xf32, #tpu.memory_space<vmem>> -> memref<640xf32, #tpu.memory_space<vmem>>
      %dma_wait3A_85 = tpu.memref_slice %arg14[%run_scoped3A, %mul3A_56] : memref<16x10240xf32, #tpu.memory_space<vmem_shared>> -> memref<1x640xf32, #tpu.memory_space<vmem_shared>>
      %dma_wait3A_86 = tpu.memref_squeeze %dma_wait3A_85 : memref<1x640xf32, #tpu.memory_space<vmem_shared>> -> memref<640xf32, #tpu.memory_space<vmem_shared>>
      %dma_wait3A_87 = tpu.memref_slice %arg14[%run_scoped3A, %mul3A_56] : memref<16x10240xf32, #tpu.memory_space<vmem_shared>> -> memref<1x640xf32, #tpu.memory_space<vmem_shared>>
      %dma_wait3A_88 = tpu.memref_squeeze %dma_wait3A_87 : memref<1x640xf32, #tpu.memory_space<vmem_shared>> -> memref<640xf32, #tpu.memory_space<vmem_shared>>
      %dma_wait3A_89 = arith.constant 0 : i32
      %dma_wait3A_90 = tpu.memref_slice %arg11[%dma_wait3A_89] : memref<1280xf32, #tpu.memory_space<vmem>> -> memref<640xf32, #tpu.memory_space<vmem>>
      tpu.wait_dma2 semaphore(%run_scoped3A_76 : memref<!tpu.dma_semaphore, #tpu.memory_space<semaphore_mem>>) src(%dma_wait3A_90 : memref<640xf32, #tpu.memory_space<vmem>>) dst(%dma_wait3A_88 : memref<640xf32, #tpu.memory_space<vmem_shared>>)
      tpu.yield
    }) : () -> ()
    %mul3A_57 = arith.constant 640 : i32
    %mul3A_58 = arith.muli %arg1, %mul3A_57 : i32
    %run_scoped3A_59 = arith.constant 1 : i32
    "tpu.region"() ({
      %run_scoped3A_76 = tpu.sem_alloc : memref<!tpu.dma_semaphore, #tpu.memory_space<semaphore_mem>>
      %dma_start3A = arith.constant 640 : i32
      %dma_start3A_77 = tpu.memref_slice %arg11[%dma_start3A] : memref<1280xf32, #tpu.memory_space<vmem>> -> memref<640xf32, #tpu.memory_space<vmem>>
      %dma_start3A_78 = tpu.memref_slice %arg14[%run_scoped3A_59, %mul3A_58] : memref<16x10240xf32, #tpu.memory_space<vmem_shared>> -> memref<1x640xf32, #tpu.memory_space<vmem_shared>>
      %dma_start3A_79 = tpu.memref_squeeze %dma_start3A_78 : memref<1x640xf32, #tpu.memory_space<vmem_shared>> -> memref<640xf32, #tpu.memory_space<vmem_shared>>
      %dma_start3A_80 = tpu.memref_slice %arg14[%run_scoped3A_59, %mul3A_58] : memref<16x10240xf32, #tpu.memory_space<vmem_shared>> -> memref<1x640xf32, #tpu.memory_space<vmem_shared>>
      %dma_start3A_81 = tpu.memref_squeeze %dma_start3A_80 : memref<1x640xf32, #tpu.memory_space<vmem_shared>> -> memref<640xf32, #tpu.memory_space<vmem_shared>>
      %dma_start3A_82 = arith.constant 640 : i32
      %dma_start3A_83 = tpu.memref_slice %arg11[%dma_start3A_82] : memref<1280xf32, #tpu.memory_space<vmem>> -> memref<640xf32, #tpu.memory_space<vmem>>
      tpu.enqueue_dma source(%dma_start3A_83 : memref<640xf32, #tpu.memory_space<vmem>>) target(%dma_start3A_81 : memref<640xf32, #tpu.memory_space<vmem_shared>>) target_semaphore(%run_scoped3A_76 : memref<!tpu.dma_semaphore, #tpu.memory_space<semaphore_mem>>)
      %dma_wait3A = arith.constant 640 : i32
      %dma_wait3A_84 = tpu.memref_slice %arg11[%dma_wait3A] : memref<1280xf32, #tpu.memory_space<vmem>> -> memref<640xf32, #tpu.memory_space<vmem>>
      %dma_wait3A_85 = tpu.memref_slice %arg14[%run_scoped3A_59, %mul3A_58] : memref<16x10240xf32, #tpu.memory_space<vmem_shared>> -> memref<1x640xf32, #tpu.memory_space<vmem_shared>>
      %dma_wait3A_86 = tpu.memref_squeeze %dma_wait3A_85 : memref<1x640xf32, #tpu.memory_space<vmem_shared>> -> memref<640xf32, #tpu.memory_space<vmem_shared>>
      %dma_wait3A_87 = tpu.memref_slice %arg14[%run_scoped3A_59, %mul3A_58] : memref<16x10240xf32, #tpu.memory_space<vmem_shared>> -> memref<1x640xf32, #tpu.memory_space<vmem_shared>>
      %dma_wait3A_88 = tpu.memref_squeeze %dma_wait3A_87 : memref<1x640xf32, #tpu.memory_space<vmem_shared>> -> memref<640xf32, #tpu.memory_space<vmem_shared>>
      %dma_wait3A_89 = arith.constant 640 : i32
      %dma_wait3A_90 = tpu.memref_slice %arg11[%dma_wait3A_89] : memref<1280xf32, #tpu.memory_space<vmem>> -> memref<640xf32, #tpu.memory_space<vmem>>
      tpu.wait_dma2 semaphore(%run_scoped3A_76 : memref<!tpu.dma_semaphore, #tpu.memory_space<semaphore_mem>>) src(%dma_wait3A_90 : memref<640xf32, #tpu.memory_space<vmem>>) dst(%dma_wait3A_88 : memref<640xf32, #tpu.memory_space<vmem_shared>>)
      tpu.yield
    }) : () -> ()
    %barrier3A_60 = arith.constant 0 : index
    tpu.barrier barrier_id(%barrier3A_60)
    %run_scoped3A_61 = arith.constant 0 : i32
    "tpu.region"() ({
      %run_scoped3A_76 = tpu.sem_alloc : memref<!tpu.dma_semaphore, #tpu.memory_space<semaphore_mem>>
      %dma_start3A = arith.constant 0 : i32
      %dma_start3A_77 = tpu.memref_slice %arg8[%dma_start3A] : memref<20480xf32, #tpu.memory_space<vmem>> -> memref<10240xf32, #tpu.memory_space<vmem>>
      %dma_start3A_78 = arith.constant 0 : i32
      %dma_start3A_79 = tpu.memref_slice %arg14[%run_scoped3A_61, %dma_start3A_78] : memref<16x10240xf32, #tpu.memory_space<vmem_shared>> -> memref<1x10240xf32, #tpu.memory_space<vmem_shared>>
      %dma_start3A_80 = tpu.memref_squeeze %dma_start3A_79 : memref<1x10240xf32, #tpu.memory_space<vmem_shared>> -> memref<10240xf32, #tpu.memory_space<vmem_shared>>
      %dma_start3A_81 = arith.constant 0 : i32
      %dma_start3A_82 = tpu.memref_slice %arg8[%dma_start3A_81] : memref<20480xf32, #tpu.memory_space<vmem>> -> memref<10240xf32, #tpu.memory_space<vmem>>
      %dma_start3A_83 = arith.constant 0 : i32
      %dma_start3A_84 = tpu.memref_slice %arg14[%run_scoped3A_61, %dma_start3A_83] : memref<16x10240xf32, #tpu.memory_space<vmem_shared>> -> memref<1x10240xf32, #tpu.memory_space<vmem_shared>>
      %dma_start3A_85 = tpu.memref_squeeze %dma_start3A_84 : memref<1x10240xf32, #tpu.memory_space<vmem_shared>> -> memref<10240xf32, #tpu.memory_space<vmem_shared>>
      tpu.enqueue_dma source(%dma_start3A_85 : memref<10240xf32, #tpu.memory_space<vmem_shared>>) target(%dma_start3A_82 : memref<10240xf32, #tpu.memory_space<vmem>>) target_semaphore(%run_scoped3A_76 : memref<!tpu.dma_semaphore, #tpu.memory_space<semaphore_mem>>)
      %dma_wait3A = arith.constant 0 : i32
      %dma_wait3A_86 = tpu.memref_slice %arg8[%dma_wait3A] : memref<20480xf32, #tpu.memory_space<vmem>> -> memref<10240xf32, #tpu.memory_space<vmem>>
      %dma_wait3A_87 = arith.constant 0 : i32
      %dma_wait3A_88 = tpu.memref_slice %arg14[%run_scoped3A_61, %dma_wait3A_87] : memref<16x10240xf32, #tpu.memory_space<vmem_shared>> -> memref<1x10240xf32, #tpu.memory_space<vmem_shared>>
      %dma_wait3A_89 = tpu.memref_squeeze %dma_wait3A_88 : memref<1x10240xf32, #tpu.memory_space<vmem_shared>> -> memref<10240xf32, #tpu.memory_space<vmem_shared>>
      %dma_wait3A_90 = arith.constant 0 : i32
      %dma_wait3A_91 = tpu.memref_slice %arg8[%dma_wait3A_90] : memref<20480xf32, #tpu.memory_space<vmem>> -> memref<10240xf32, #tpu.memory_space<vmem>>
      %dma_wait3A_92 = arith.constant 0 : i32
      %dma_wait3A_93 = tpu.memref_slice %arg14[%run_scoped3A_61, %dma_wait3A_92] : memref<16x10240xf32, #tpu.memory_space<vmem_shared>> -> memref<1x10240xf32, #tpu.memory_space<vmem_shared>>
      %dma_wait3A_94 = tpu.memref_squeeze %dma_wait3A_93 : memref<1x10240xf32, #tpu.memory_space<vmem_shared>> -> memref<10240xf32, #tpu.memory_space<vmem_shared>>
      tpu.wait_dma2 semaphore(%run_scoped3A_76 : memref<!tpu.dma_semaphore, #tpu.memory_space<semaphore_mem>>) src(%dma_wait3A_94 : memref<10240xf32, #tpu.memory_space<vmem_shared>>) dst(%dma_wait3A_91 : memref<10240xf32, #tpu.memory_space<vmem>>)
      tpu.yield
    }) : () -> ()
    %run_scoped3A_62 = arith.constant 1 : i32
    "tpu.region"() ({
      %run_scoped3A_76 = tpu.sem_alloc : memref<!tpu.dma_semaphore, #tpu.memory_space<semaphore_mem>>
      %dma_start3A = arith.constant 10240 : i32
      %dma_start3A_77 = tpu.memref_slice %arg8[%dma_start3A] : memref<20480xf32, #tpu.memory_space<vmem>> -> memref<10240xf32, #tpu.memory_space<vmem>>
      %dma_start3A_78 = arith.constant 0 : i32
      %dma_start3A_79 = tpu.memref_slice %arg14[%run_scoped3A_62, %dma_start3A_78] : memref<16x10240xf32, #tpu.memory_space<vmem_shared>> -> memref<1x10240xf32, #tpu.memory_space<vmem_shared>>
      %dma_start3A_80 = tpu.memref_squeeze %dma_start3A_79 : memref<1x10240xf32, #tpu.memory_space<vmem_shared>> -> memref<10240xf32, #tpu.memory_space<vmem_shared>>
      %dma_start3A_81 = arith.constant 10240 : i32
      %dma_start3A_82 = tpu.memref_slice %arg8[%dma_start3A_81] : memref<20480xf32, #tpu.memory_space<vmem>> -> memref<10240xf32, #tpu.memory_space<vmem>>
      %dma_start3A_83 = arith.constant 0 : i32
      %dma_start3A_84 = tpu.memref_slice %arg14[%run_scoped3A_62, %dma_start3A_83] : memref<16x10240xf32, #tpu.memory_space<vmem_shared>> -> memref<1x10240xf32, #tpu.memory_space<vmem_shared>>
      %dma_start3A_85 = tpu.memref_squeeze %dma_start3A_84 : memref<1x10240xf32, #tpu.memory_space<vmem_shared>> -> memref<10240xf32, #tpu.memory_space<vmem_shared>>
      tpu.enqueue_dma source(%dma_start3A_85 : memref<10240xf32, #tpu.memory_space<vmem_shared>>) target(%dma_start3A_82 : memref<10240xf32, #tpu.memory_space<vmem>>) target_semaphore(%run_scoped3A_76 : memref<!tpu.dma_semaphore, #tpu.memory_space<semaphore_mem>>)
      %dma_wait3A = arith.constant 10240 : i32
      %dma_wait3A_86 = tpu.memref_slice %arg8[%dma_wait3A] : memref<20480xf32, #tpu.memory_space<vmem>> -> memref<10240xf32, #tpu.memory_space<vmem>>
      %dma_wait3A_87 = arith.constant 0 : i32
      %dma_wait3A_88 = tpu.memref_slice %arg14[%run_scoped3A_62, %dma_wait3A_87] : memref<16x10240xf32, #tpu.memory_space<vmem_shared>> -> memref<1x10240xf32, #tpu.memory_space<vmem_shared>>
      %dma_wait3A_89 = tpu.memref_squeeze %dma_wait3A_88 : memref<1x10240xf32, #tpu.memory_space<vmem_shared>> -> memref<10240xf32, #tpu.memory_space<vmem_shared>>
      %dma_wait3A_90 = arith.constant 10240 : i32
      %dma_wait3A_91 = tpu.memref_slice %arg8[%dma_wait3A_90] : memref<20480xf32, #tpu.memory_space<vmem>> -> memref<10240xf32, #tpu.memory_space<vmem>>
      %dma_wait3A_92 = arith.constant 0 : i32
      %dma_wait3A_93 = tpu.memref_slice %arg14[%run_scoped3A_62, %dma_wait3A_92] : memref<16x10240xf32, #tpu.memory_space<vmem_shared>> -> memref<1x10240xf32, #tpu.memory_space<vmem_shared>>
      %dma_wait3A_94 = tpu.memref_squeeze %dma_wait3A_93 : memref<1x10240xf32, #tpu.memory_space<vmem_shared>> -> memref<10240xf32, #tpu.memory_space<vmem_shared>>
      tpu.wait_dma2 semaphore(%run_scoped3A_76 : memref<!tpu.dma_semaphore, #tpu.memory_space<semaphore_mem>>) src(%dma_wait3A_94 : memref<10240xf32, #tpu.memory_space<vmem_shared>>) dst(%dma_wait3A_91 : memref<10240xf32, #tpu.memory_space<vmem>>)
      tpu.yield
    }) : () -> ()
    %ne3A_63 = arith.constant 31 : i32
    "tpu.trace_stop"() : () -> ()
    %ne3A_64 = arith.cmpi ne, %add3A, %ne3A_63 : i32
    %convert_element_type3A_65 = arith.extui %ne3A_64 : i1 to i32
    %cond3A_66 = arith.constant 0 : i32
    %cond3A_67 = arith.cmpi ne, %convert_element_type3A_65, %cond3A_66 : i32
    scf.if %cond3A_67 {
      %mul3A_76 = arith.constant 10240 : i32
      %mul3A_77 = arith.muli %add3A, %mul3A_76 : i32
      %dma_wait3A = arith.constant 0 : i32
      %dma_wait3A_78 = tpu.memref_slice %arg2[%dma_wait3A, %mul3A_77] : memref<2x320000xi32, #tpu.memory_space<hbm>> -> memref<1x10240xi32, #tpu.memory_space<hbm>>
      %dma_wait3A_79 = tpu.memref_squeeze %dma_wait3A_78 : memref<1x10240xi32, #tpu.memory_space<hbm>> -> memref<10240xi32, #tpu.memory_space<hbm>>
      %dma_wait3A_80 = tpu.memref_slice %arg2[%dma_wait3A, %mul3A_77] : memref<2x320000xi32, #tpu.memory_space<hbm>> -> memref<1x10240xi32, #tpu.memory_space<hbm>>
      %dma_wait3A_81 = tpu.memref_squeeze %dma_wait3A_80 : memref<1x10240xi32, #tpu.memory_space<hbm>> -> memref<10240xi32, #tpu.memory_space<hbm>>
      tpu.wait_dma2 semaphore(%arg13 : memref<!tpu.dma_semaphore, #tpu.memory_space<semaphore_mem>>) src(%dma_wait3A_81 : memref<10240xi32, #tpu.memory_space<hbm>>) dst(%arg7 : memref<10240xi32, #tpu.memory_space<vmem>>)
    } else {
    }
    %eq3A_68 = arith.constant 31 : i32
    %eq3A_69 = arith.cmpi eq, %add3A, %eq3A_68 : i32
    %convert_element_type3A_70 = arith.extui %eq3A_69 : i1 to i32
    %cond3A_71 = arith.constant 0 : i32
    %cond3A_72 = arith.cmpi ne, %convert_element_type3A_70, %cond3A_71 : i32
    scf.if %cond3A_72 {
      %dma_wait3A = arith.constant 0 : i32
      %dma_wait3A_76 = arith.constant 0 : i32
      %dma_wait3A_77 = tpu.memref_slice %arg7[%dma_wait3A_76] : memref<10240xi32, #tpu.memory_space<vmem>> -> memref<2560xi32, #tpu.memory_space<vmem>>
      %dma_wait3A_78 = arith.constant 317440 : i32
      %dma_wait3A_79 = tpu.memref_slice %arg2[%dma_wait3A, %dma_wait3A_78] : memref<2x320000xi32, #tpu.memory_space<hbm>> -> memref<1x2560xi32, #tpu.memory_space<hbm>>
      %dma_wait3A_80 = tpu.memref_squeeze %dma_wait3A_79 : memref<1x2560xi32, #tpu.memory_space<hbm>> -> memref<2560xi32, #tpu.memory_space<hbm>>
      %dma_wait3A_81 = arith.constant 0 : i32
      %dma_wait3A_82 = tpu.memref_slice %arg7[%dma_wait3A_81] : memref<10240xi32, #tpu.memory_space<vmem>> -> memref<2560xi32, #tpu.memory_space<vmem>>
      %dma_wait3A_83 = arith.constant 317440 : i32
      %dma_wait3A_84 = tpu.memref_slice %arg2[%dma_wait3A, %dma_wait3A_83] : memref<2x320000xi32, #tpu.memory_space<hbm>> -> memref<1x2560xi32, #tpu.memory_space<hbm>>
      %dma_wait3A_85 = tpu.memref_squeeze %dma_wait3A_84 : memref<1x2560xi32, #tpu.memory_space<hbm>> -> memref<2560xi32, #tpu.memory_space<hbm>>
      tpu.wait_dma2 semaphore(%arg13 : memref<!tpu.dma_semaphore, #tpu.memory_space<semaphore_mem>>) src(%dma_wait3A_85 : memref<2560xi32, #tpu.memory_space<hbm>>) dst(%dma_wait3A_82 : memref<2560xi32, #tpu.memory_space<vmem>>)
      %iota3A = tpu.iota {dimensions = array<i32: 0>} : vector<16xi32>
      %rem3A = arith.constant 240 : i32
      %rem3A_86 = vector.broadcast %rem3A : i32 to vector<16xi32>
      %rem3A_87 = arith.remsi %iota3A, %rem3A_86 : vector<16xi32>
      %add3A_88 = arith.constant 10000 : i32
      %add3A_89 = vector.broadcast %add3A_88 : i32 to vector<16xi32>
      %add3A_90 = arith.addi %add3A_89, %rem3A_87 : vector<16xi32>
      %parallel_loop3A_91 = arith.constant 0 : i32
      %parallel_loop3A_92 = arith.constant 480 : i32
      %parallel_loop3A_93 = arith.constant 1 : i32
      scf.for %parallel_loop3A_94 = %parallel_loop3A_91 to %parallel_loop3A_92 step %parallel_loop3A_93  : i32 {
        %parallel_loop3A_95 = arith.constant 16 : i32
        %parallel_loop3A_96 = arith.muli %parallel_loop3A_94, %parallel_loop3A_95 : i32
        %parallel_loop3A_97 = vector.broadcast %parallel_loop3A_96 : i32 to vector<16xi32>
        %parallel_loop3A_98 = arith.addi %add3A_90, %parallel_loop3A_97 : vector<16xi32>
        %parallel_loop3A_99 = arith.constant 10000 : i32
        %parallel_loop3A_100 = vector.broadcast %parallel_loop3A_99 : i32 to vector<16xi32>
        %parallel_loop3A_101 = arith.subi %parallel_loop3A_98, %parallel_loop3A_100 : vector<16xi32>
        %parallel_loop3A_102 = arith.constant 240 : i32
        %parallel_loop3A_103 = vector.broadcast %parallel_loop3A_102 : i32 to vector<16xi32>
        %parallel_loop3A_104 = arith.remsi %parallel_loop3A_101, %parallel_loop3A_103 : vector<16xi32>
        %parallel_loop3A_105 = arith.constant 10000 : i32
        %parallel_loop3A_106 = vector.broadcast %parallel_loop3A_105 : i32 to vector<16xi32>
        %parallel_loop3A_107 = arith.addi %parallel_loop3A_106, %parallel_loop3A_104 : vector<16xi32>
        %parallel_loop3A_108 = arith.constant 16 : i32
        %parallel_loop3A_109 = arith.muli %parallel_loop3A_94, %parallel_loop3A_108 : i32
        %parallel_loop3A_110 = arith.constant 2560 : i32
        %parallel_loop3A_111 = arith.addi %parallel_loop3A_110, %parallel_loop3A_109 : i32
        %parallel_loop3A_112 = arith.index_cast %parallel_loop3A_111 : i32 to index
        %parallel_loop3A_113 = tpu.vector_load %arg7[%parallel_loop3A_112] {strides = array<i32>} : memref<10240xi32, #tpu.memory_space<vmem>>, vector<16xi32>,
        tpu.vector_store %arg7[%parallel_loop3A_112], %parallel_loop3A_107 {strides = array<i32>} : memref<10240xi32, #tpu.memory_space<vmem>>, vector<16xi32>,
      } {sc.loop_unroll_factor = 1 : i64, sc.parallel_access}
    } else {
    }
    %parallel_loop3A_73 = arith.constant 0 : i32
    %parallel_loop3A_74 = arith.constant 160 : i32
    %parallel_loop3A_75 = arith.constant 1 : i32
    "tpu.trace_start"() <{level = 10 : i32, message = "accum_b"}> : () -> ()
    scf.for %parallel_loop3A_76 = %parallel_loop3A_73 to %parallel_loop3A_74 step %parallel_loop3A_75  : i32 {
      %parallel_loop3A_77 = arith.constant 64 : i32
      %parallel_loop3A_78 = arith.muli %parallel_loop3A_76, %parallel_loop3A_77 : i32
      %parallel_loop3A_79 = arith.constant 0 : i32
      %parallel_loop3A_80 = arith.addi %parallel_loop3A_78, %parallel_loop3A_79 : i32
      %parallel_loop3A_81 = arith.addi %mul3A_2, %parallel_loop3A_80 : i32
      %parallel_loop3A_82 = arith.index_cast %parallel_loop3A_81 : i32 to index
      %parallel_loop3A_83 = tpu.vector_load %arg5[%parallel_loop3A_82] {strides = array<i32>} : memref<20480xi32, #tpu.memory_space<vmem>>, vector<16xi32>,
      %parallel_loop3A_84 = arith.addi %mul3A_2, %parallel_loop3A_80 : i32
      %parallel_loop3A_85 = arith.index_cast %parallel_loop3A_84 : i32 to index
      %parallel_loop3A_86 = tpu.vector_load %arg6[%parallel_loop3A_85] {strides = array<i32>} : memref<20480xi32, #tpu.memory_space<vmem>>, vector<16xi32>,
      %parallel_loop3A_87 = arith.constant 10240 : i32
      %parallel_loop3A_88 = vector.broadcast %parallel_loop3A_87 : i32 to vector<16xi32>
      %parallel_loop3A_89 = arith.muli %parallel_loop3A_86, %parallel_loop3A_88 : vector<16xi32>
      %parallel_loop3A_90 = arith.addi %parallel_loop3A_89, %parallel_loop3A_83 : vector<16xi32>
      %parallel_loop3A_91 = tpu.vector_load_idx %arg8[%parallel_loop3A_90] : memref<20480xf32, #tpu.memory_space<vmem>>[vector<16xi32>], vector<16xf32>,
      %parallel_loop3A_92 = arith.index_cast %parallel_loop3A_80 : i32 to index
      %parallel_loop3A_93 = tpu.vector_load %arg7[%parallel_loop3A_92] {strides = array<i32>} : memref<10240xi32, #tpu.memory_space<vmem>>, vector<16xi32>,
      %parallel_loop3A_94 = arith.constant 10240 : i32
      %parallel_loop3A_95 = vector.broadcast %parallel_loop3A_94 : i32 to vector<16xi32>
      %parallel_loop3A_96 = arith.muli %parallel_loop3A_86, %parallel_loop3A_95 : vector<16xi32>
      %parallel_loop3A_97 = arith.addi %parallel_loop3A_96, %parallel_loop3A_93 : vector<16xi32>
      tpu.vector_store_idx %arg9[%parallel_loop3A_97], %parallel_loop3A_91 {add = true} : memref<20480xf32, #tpu.memory_space<vmem>>[vector<16xi32>], vector<16xf32>,
      %parallel_loop3A_98 = arith.constant 64 : i32
      %parallel_loop3A_99 = arith.muli %parallel_loop3A_76, %parallel_loop3A_98 : i32
      %parallel_loop3A_100 = arith.constant 16 : i32
      %parallel_loop3A_101 = arith.addi %parallel_loop3A_99, %parallel_loop3A_100 : i32
      %parallel_loop3A_102 = arith.addi %mul3A_2, %parallel_loop3A_101 : i32
      %parallel_loop3A_103 = arith.index_cast %parallel_loop3A_102 : i32 to index
      %parallel_loop3A_104 = tpu.vector_load %arg5[%parallel_loop3A_103] {strides = array<i32>} : memref<20480xi32, #tpu.memory_space<vmem>>, vector<16xi32>,
      %parallel_loop3A_105 = arith.addi %mul3A_2, %parallel_loop3A_101 : i32
      %parallel_loop3A_106 = arith.index_cast %parallel_loop3A_105 : i32 to index
      %parallel_loop3A_107 = tpu.vector_load %arg6[%parallel_loop3A_106] {strides = array<i32>} : memref<20480xi32, #tpu.memory_space<vmem>>, vector<16xi32>,
      %parallel_loop3A_108 = arith.constant 10240 : i32
      %parallel_loop3A_109 = vector.broadcast %parallel_loop3A_108 : i32 to vector<16xi32>
      %parallel_loop3A_110 = arith.muli %parallel_loop3A_107, %parallel_loop3A_109 : vector<16xi32>
      %parallel_loop3A_111 = arith.addi %parallel_loop3A_110, %parallel_loop3A_104 : vector<16xi32>
      %parallel_loop3A_112 = tpu.vector_load_idx %arg8[%parallel_loop3A_111] : memref<20480xf32, #tpu.memory_space<vmem>>[vector<16xi32>], vector<16xf32>,
      %parallel_loop3A_113 = arith.index_cast %parallel_loop3A_101 : i32 to index
      %parallel_loop3A_114 = tpu.vector_load %arg7[%parallel_loop3A_113] {strides = array<i32>} : memref<10240xi32, #tpu.memory_space<vmem>>, vector<16xi32>,
      %parallel_loop3A_115 = arith.constant 10240 : i32
      %parallel_loop3A_116 = vector.broadcast %parallel_loop3A_115 : i32 to vector<16xi32>
      %parallel_loop3A_117 = arith.muli %parallel_loop3A_107, %parallel_loop3A_116 : vector<16xi32>
      %parallel_loop3A_118 = arith.addi %parallel_loop3A_117, %parallel_loop3A_114 : vector<16xi32>
      tpu.vector_store_idx %arg9[%parallel_loop3A_118], %parallel_loop3A_112 {add = true} : memref<20480xf32, #tpu.memory_space<vmem>>[vector<16xi32>], vector<16xf32>,
      %parallel_loop3A_119 = arith.constant 64 : i32
      %parallel_loop3A_120 = arith.muli %parallel_loop3A_76, %parallel_loop3A_119 : i32
      %parallel_loop3A_121 = arith.constant 32 : i32
      %parallel_loop3A_122 = arith.addi %parallel_loop3A_120, %parallel_loop3A_121 : i32
      %parallel_loop3A_123 = arith.addi %mul3A_2, %parallel_loop3A_122 : i32
      %parallel_loop3A_124 = arith.index_cast %parallel_loop3A_123 : i32 to index
      %parallel_loop3A_125 = tpu.vector_load %arg5[%parallel_loop3A_124] {strides = array<i32>} : memref<20480xi32, #tpu.memory_space<vmem>>, vector<16xi32>,
      %parallel_loop3A_126 = arith.addi %mul3A_2, %parallel_loop3A_122 : i32
      %parallel_loop3A_127 = arith.index_cast %parallel_loop3A_126 : i32 to index
      %parallel_loop3A_128 = tpu.vector_load %arg6[%parallel_loop3A_127] {strides = array<i32>} : memref<20480xi32, #tpu.memory_space<vmem>>, vector<16xi32>,
      %parallel_loop3A_129 = arith.constant 10240 : i32
      %parallel_loop3A_130 = vector.broadcast %parallel_loop3A_129 : i32 to vector<16xi32>
      %parallel_loop3A_131 = arith.muli %parallel_loop3A_128, %parallel_loop3A_130 : vector<16xi32>
      %parallel_loop3A_132 = arith.addi %parallel_loop3A_131, %parallel_loop3A_125 : vector<16xi32>
      %parallel_loop3A_133 = tpu.vector_load_idx %arg8[%parallel_loop3A_132] : memref<20480xf32, #tpu.memory_space<vmem>>[vector<16xi32>], vector<16xf32>,
      %parallel_loop3A_134 = arith.index_cast %parallel_loop3A_122 : i32 to index
      %parallel_loop3A_135 = tpu.vector_load %arg7[%parallel_loop3A_134] {strides = array<i32>} : memref<10240xi32, #tpu.memory_space<vmem>>, vector<16xi32>,
      %parallel_loop3A_136 = arith.constant 10240 : i32
      %parallel_loop3A_137 = vector.broadcast %parallel_loop3A_136 : i32 to vector<16xi32>
      %parallel_loop3A_138 = arith.muli %parallel_loop3A_128, %parallel_loop3A_137 : vector<16xi32>
      %parallel_loop3A_139 = arith.addi %parallel_loop3A_138, %parallel_loop3A_135 : vector<16xi32>
      tpu.vector_store_idx %arg9[%parallel_loop3A_139], %parallel_loop3A_133 {add = true} : memref<20480xf32, #tpu.memory_space<vmem>>[vector<16xi32>], vector<16xf32>,
      %parallel_loop3A_140 = arith.constant 64 : i32
      %parallel_loop3A_141 = arith.muli %parallel_loop3A_76, %parallel_loop3A_140 : i32
      %parallel_loop3A_142 = arith.constant 48 : i32
      %parallel_loop3A_143 = arith.addi %parallel_loop3A_141, %parallel_loop3A_142 : i32
      %parallel_loop3A_144 = arith.addi %mul3A_2, %parallel_loop3A_143 : i32
      %parallel_loop3A_145 = arith.index_cast %parallel_loop3A_144 : i32 to index
      %parallel_loop3A_146 = tpu.vector_load %arg5[%parallel_loop3A_145] {strides = array<i32>} : memref<20480xi32, #tpu.memory_space<vmem>>, vector<16xi32>,
      %parallel_loop3A_147 = arith.addi %mul3A_2, %parallel_loop3A_143 : i32
      %parallel_loop3A_148 = arith.index_cast %parallel_loop3A_147 : i32 to index
      %parallel_loop3A_149 = tpu.vector_load %arg6[%parallel_loop3A_148] {strides = array<i32>} : memref<20480xi32, #tpu.memory_space<vmem>>, vector<16xi32>,
      %parallel_loop3A_150 = arith.constant 10240 : i32
      %parallel_loop3A_151 = vector.broadcast %parallel_loop3A_150 : i32 to vector<16xi32>
      %parallel_loop3A_152 = arith.muli %parallel_loop3A_149, %parallel_loop3A_151 : vector<16xi32>
      %parallel_loop3A_153 = arith.addi %parallel_loop3A_152, %parallel_loop3A_146 : vector<16xi32>
      %parallel_loop3A_154 = tpu.vector_load_idx %arg8[%parallel_loop3A_153] : memref<20480xf32, #tpu.memory_space<vmem>>[vector<16xi32>], vector<16xf32>,
      %parallel_loop3A_155 = arith.index_cast %parallel_loop3A_143 : i32 to index
      %parallel_loop3A_156 = tpu.vector_load %arg7[%parallel_loop3A_155] {strides = array<i32>} : memref<10240xi32, #tpu.memory_space<vmem>>, vector<16xi32>,
      %parallel_loop3A_157 = arith.constant 10240 : i32
      %parallel_loop3A_158 = vector.broadcast %parallel_loop3A_157 : i32 to vector<16xi32>
      %parallel_loop3A_159 = arith.muli %parallel_loop3A_149, %parallel_loop3A_158 : vector<16xi32>
      %parallel_loop3A_160 = arith.addi %parallel_loop3A_159, %parallel_loop3A_156 : vector<16xi32>
      tpu.vector_store_idx %arg9[%parallel_loop3A_160], %parallel_loop3A_154 {add = true} : memref<20480xf32, #tpu.memory_space<vmem>>[vector<16xi32>], vector<16xf32>,
    } {sc.loop_unroll_factor = 1 : i64, sc.parallel_access}
    "tpu.trace_stop"() : () -> ()
    "tpu.trace_start"() <{level = 10 : i32, message = "emit_acc"}> : () -> ()
    "tpu.region"() ({
      %run_scoped3A_76 = tpu.sem_alloc : memref<!tpu.dma_semaphore, #tpu.memory_space<semaphore_mem>>
      %dma_start3A = arith.constant 0 : i32
      %dma_start3A_77 = tpu.memref_slice %arg4[%add3A, %dma_start3A] : memref<32x20480xf32, #tpu.memory_space<hbm>> -> memref<1x20480xf32, #tpu.memory_space<hbm>>
      %dma_start3A_78 = tpu.memref_squeeze %dma_start3A_77 : memref<1x20480xf32, #tpu.memory_space<hbm>> -> memref<20480xf32, #tpu.memory_space<hbm>>
      %dma_start3A_79 = arith.constant 0 : i32
      %dma_start3A_80 = tpu.memref_slice %arg4[%add3A, %dma_start3A_79] : memref<32x20480xf32, #tpu.memory_space<hbm>> -> memref<1x20480xf32, #tpu.memory_space<hbm>>
      %dma_start3A_81 = tpu.memref_squeeze %dma_start3A_80 : memref<1x20480xf32, #tpu.memory_space<hbm>> -> memref<20480xf32, #tpu.memory_space<hbm>>
      tpu.enqueue_dma source(%arg9 : memref<20480xf32, #tpu.memory_space<vmem>>) target(%dma_start3A_81 : memref<20480xf32, #tpu.memory_space<hbm>>) target_semaphore(%run_scoped3A_76 : memref<!tpu.dma_semaphore, #tpu.memory_space<semaphore_mem>>)
      %dma_wait3A = arith.constant 0 : i32
      %dma_wait3A_82 = tpu.memref_slice %arg4[%add3A, %dma_wait3A] : memref<32x20480xf32, #tpu.memory_space<hbm>> -> memref<1x20480xf32, #tpu.memory_space<hbm>>
      %dma_wait3A_83 = tpu.memref_squeeze %dma_wait3A_82 : memref<1x20480xf32, #tpu.memory_space<hbm>> -> memref<20480xf32, #tpu.memory_space<hbm>>
      %dma_wait3A_84 = arith.constant 0 : i32
      %dma_wait3A_85 = tpu.memref_slice %arg4[%add3A, %dma_wait3A_84] : memref<32x20480xf32, #tpu.memory_space<hbm>> -> memref<1x20480xf32, #tpu.memory_space<hbm>>
      %dma_wait3A_86 = tpu.memref_squeeze %dma_wait3A_85 : memref<1x20480xf32, #tpu.memory_space<hbm>> -> memref<20480xf32, #tpu.memory_space<hbm>>
      tpu.wait_dma2 semaphore(%run_scoped3A_76 : memref<!tpu.dma_semaphore, #tpu.memory_space<semaphore_mem>>) src(%arg9 : memref<20480xf32, #tpu.memory_space<vmem>>) dst(%dma_wait3A_86 : memref<20480xf32, #tpu.memory_space<hbm>>)
      tpu.yield
    }) : () -> ()
    "tpu.trace_stop"() : () -> ()
    return
  }
}

module attributes {stable_mosaic.version = 14 : i64} {
  func.func @_tc_base_kernel(%arg0: memref<10000x128xf32, #tpu.memory_space<vmem>>, %arg1: memref<128x128xf32, #tpu.memory_space<vmem>>, %arg2: memref<128xf32, #tpu.memory_space<vmem>>, %arg3: memref<128x10000xf32, #tpu.memory_space<vmem>>, %arg4: memref<10000xf32, #tpu.memory_space<vmem>>, %arg5: memref<1x10000xf32, #tpu.memory_space<vmem>>) attributes {dimension_semantics = [], scalar_prefetch = 0 : i64, scratch_operands = 0 : i64, tpu.core_type = #tpu.core_type<tc>} {
    %get3A = arith.constant 0 : index
    %get3A_0 = arith.constant 0 : index
    %get3A_1 = vector.load %arg0[%get3A, %get3A_0] : memref<10000x128xf32, #tpu.memory_space<vmem>>, vector<10000x128xf32>
    %reduce_sum3A = arith.constant dense<0.000000e+00> : vector<128xf32>
    %reduce_sum3A_2 = vector.multi_reduction <add>, %get3A_1, %reduce_sum3A [0] : vector<10000x128xf32> to vector<128xf32>
    %broadcast_in_dim3A = vector.shape_cast %reduce_sum3A_2 : vector<128xf32> to vector<1x128xf32>
    %get3A_3 = arith.constant 0 : index
    %get3A_4 = arith.constant 0 : index
    %get3A_5 = vector.load %arg1[%get3A_3, %get3A_4] : memref<128x128xf32, #tpu.memory_space<vmem>>, vector<128x128xf32>
    %dot_general3A = arith.constant dense<0.000000e+00> : vector<1x128xf32>
    %dot_general3A_6 = tpu.matmul %broadcast_in_dim3A, %get3A_5, %dot_general3A {dimension_numbers = #tpu.dot_dimension_numbers<[1], [0], [0], [1], [0, 0, 1, 1], [], []>, transpose_lhs_hint = false} : vector<1x128xf32>, vector<128x128xf32>, vector<1x128xf32> -> vector<1x128xf32>
    %mul3A = arith.constant 9.99999974E-5 : f32
    %mul3A_7 = vector.broadcast %mul3A : f32 to vector<1x128xf32>
    %mul3A_8 = arith.mulf %dot_general3A_6, %mul3A_7 : vector<1x128xf32>
    %get3A_9 = arith.constant 0 : index
    %get3A_10 = vector.load %arg2[%get3A_9] : memref<128xf32, #tpu.memory_space<vmem>>, vector<128xf32>
    %broadcast_in_dim3A_11 = vector.shape_cast %get3A_10 : vector<128xf32> to vector<1x128xf32>
    %add3A = arith.addf %mul3A_8, %broadcast_in_dim3A_11 : vector<1x128xf32>
    %get3A_12 = arith.constant 0 : index
    %get3A_13 = arith.constant 0 : index
    %get3A_14 = vector.load %arg3[%get3A_12, %get3A_13] : memref<128x10000xf32, #tpu.memory_space<vmem>>, vector<128x10000xf32>
    %dot_general3A_15 = arith.constant dense<0.000000e+00> : vector<1x10000xf32>
    %dot_general3A_16 = tpu.matmul %add3A, %get3A_14, %dot_general3A_15 {dimension_numbers = #tpu.dot_dimension_numbers<[1], [0], [0], [1], [0, 0, 1, 1], [], []>, transpose_lhs_hint = false} : vector<1x128xf32>, vector<128x10000xf32>, vector<1x10000xf32> -> vector<1x10000xf32>
    %get3A_17 = arith.constant 0 : index
    %get3A_18 = vector.load %arg4[%get3A_17] : memref<10000xf32, #tpu.memory_space<vmem>>, vector<10000xf32>
    %broadcast_in_dim3A_19 = vector.shape_cast %get3A_18 : vector<10000xf32> to vector<1x10000xf32>
    %add3A_20 = arith.addf %dot_general3A_16, %broadcast_in_dim3A_19 : vector<1x10000xf32>
    %swap3A = arith.constant 0 : index
    %swap3A_21 = arith.constant 0 : index
    %swap3A_22 = vector.load %arg5[%swap3A, %swap3A_21] : memref<1x10000xf32, #tpu.memory_space<vmem>>, vector<1x10000xf32>
    tpu.vector_store %arg5[%swap3A, %swap3A_21], %add3A_20 {strides = array<i32>} : memref<1x10000xf32, #tpu.memory_space<vmem>>, vector<1x10000xf32>,
    return
  }
}

module attributes {stable_mosaic.version = 14 : i64} {
  func.func @_tc_main_kernel(%arg0: memref<32x20480xf32, #tpu.memory_space<vmem>>, %arg1: memref<10000x128xf32, #tpu.memory_space<vmem>>, %arg2: memref<2x30xf32, #tpu.memory_space<vmem>>, %arg3: memref<30x128x128xf32, #tpu.memory_space<vmem>>, %arg4: memref<128x10000xf32, #tpu.memory_space<vmem>>, %arg5: memref<1x10000xf32, #tpu.memory_space<vmem>>, %arg6: memref<1x10000xf32, #tpu.memory_space<vmem>>) attributes {dimension_semantics = [], scalar_prefetch = 0 : i64, scratch_operands = 0 : i64, tpu.core_type = #tpu.core_type<tc>} {
    %get3A = arith.constant 0 : index
    %get3A_0 = arith.constant 0 : index
    %get3A_1 = vector.load %arg0[%get3A, %get3A_0] : memref<32x20480xf32, #tpu.memory_space<vmem>>, vector<32x20480xf32>
    %reduce_sum3A = arith.constant dense<0.000000e+00> : vector<20480xf32>
    %reduce_sum3A_2 = vector.multi_reduction <add>, %get3A_1, %reduce_sum3A [0] : vector<32x20480xf32> to vector<20480xf32>
    %slice3A = vector.extract_strided_slice %reduce_sum3A_2 {offsets = [0], sizes = [10000], strides = [1]} : vector<20480xf32> to vector<10000xf32>
    %broadcast_in_dim3A = vector.shape_cast %slice3A : vector<10000xf32> to vector<1x10000xf32>
    %slice3A_3 = vector.extract_strided_slice %reduce_sum3A_2 {offsets = [10240], sizes = [10000], strides = [1]} : vector<20480xf32> to vector<10000xf32>
    %broadcast_in_dim3A_4 = vector.shape_cast %slice3A_3 : vector<10000xf32> to vector<1x10000xf32>
    %concatenate3A = tpu.concatenate %broadcast_in_dim3A, %broadcast_in_dim3A_4 in 0 : vector<1x10000xf32>, vector<1x10000xf32> -> vector<2x10000xf32>
    %get3A_5 = arith.constant 0 : index
    %get3A_6 = arith.constant 0 : index
    %get3A_7 = vector.load %arg1[%get3A_5, %get3A_6] : memref<10000x128xf32, #tpu.memory_space<vmem>>, vector<10000x128xf32>
    %dot_general3A = arith.constant dense<0.000000e+00> : vector<2x128xf32>
    %dot_general3A_8 = tpu.matmul %concatenate3A, %get3A_7, %dot_general3A {dimension_numbers = #tpu.dot_dimension_numbers<[1], [0], [0], [1], [0, 0, 1, 1], [], []>, transpose_lhs_hint = false} : vector<2x10000xf32>, vector<10000x128xf32>, vector<2x128xf32> -> vector<2x128xf32>
    %get3A_9 = arith.constant 0 : index
    %get3A_10 = arith.constant 0 : index
    %get3A_11 = vector.load %arg2[%get3A_9, %get3A_10] : memref<2x30xf32, #tpu.memory_space<vmem>>, vector<2x30xf32>
    %dot_general3A_12 = arith.constant dense<0.000000e+00> : vector<30x128xf32>
    %dot_general3A_13 = tpu.matmul %get3A_11, %dot_general3A_8, %dot_general3A_12 {dimension_numbers = #tpu.dot_dimension_numbers<[0], [0], [1], [1], [0, 1, 1, 1], [], []>, transpose_lhs_hint = false} : vector<2x30xf32>, vector<2x128xf32>, vector<30x128xf32> -> vector<30x128xf32>
    %broadcast_in_dim3A_14 = arith.constant 0.000000e+00 : f32
    %broadcast_in_dim3A_15 = vector.broadcast %broadcast_in_dim3A_14 : f32 to vector<1x128xf32>
    %slice3A_16 = vector.extract_strided_slice %dot_general3A_13 {offsets = [0, 0], sizes = [1, 128], strides = [1, 1]} : vector<30x128xf32> to vector<1x128xf32>
    %get3A_17 = arith.constant 0 : index
    %get3A_18 = arith.constant 0 : index
    %get3A_19 = arith.constant 0 : index
    %get3A_20 = vector.load %arg3[%get3A_17, %get3A_18, %get3A_19] : memref<30x128x128xf32, #tpu.memory_space<vmem>>, vector<1x128x128xf32>
    %get3A_21 = vector.shape_cast %get3A_20 : vector<1x128x128xf32> to vector<128x128xf32>
    %dot_general3A_22 = arith.constant dense<0.000000e+00> : vector<1x128xf32>
    %dot_general3A_23 = tpu.matmul %slice3A_16, %get3A_21, %dot_general3A_22 {dimension_numbers = #tpu.dot_dimension_numbers<[1], [0], [0], [1], [0, 0, 1, 1], [], []>, transpose_lhs_hint = false} : vector<1x128xf32>, vector<128x128xf32>, vector<1x128xf32> -> vector<1x128xf32>
    %add3A = arith.addf %broadcast_in_dim3A_15, %dot_general3A_23 : vector<1x128xf32>
    %slice3A_24 = vector.extract_strided_slice %dot_general3A_13 {offsets = [1, 0], sizes = [1, 128], strides = [1, 1]} : vector<30x128xf32> to vector<1x128xf32>
    %get3A_25 = arith.constant 1 : index
    %get3A_26 = arith.constant 0 : index
    %get3A_27 = arith.constant 0 : index
    %get3A_28 = vector.load %arg3[%get3A_25, %get3A_26, %get3A_27] : memref<30x128x128xf32, #tpu.memory_space<vmem>>, vector<1x128x128xf32>
    %get3A_29 = vector.shape_cast %get3A_28 : vector<1x128x128xf32> to vector<128x128xf32>
    %dot_general3A_30 = arith.constant dense<0.000000e+00> : vector<1x128xf32>
    %dot_general3A_31 = tpu.matmul %slice3A_24, %get3A_29, %dot_general3A_30 {dimension_numbers = #tpu.dot_dimension_numbers<[1], [0], [0], [1], [0, 0, 1, 1], [], []>, transpose_lhs_hint = false} : vector<1x128xf32>, vector<128x128xf32>, vector<1x128xf32> -> vector<1x128xf32>
    %add3A_32 = arith.addf %add3A, %dot_general3A_31 : vector<1x128xf32>
    %slice3A_33 = vector.extract_strided_slice %dot_general3A_13 {offsets = [2, 0], sizes = [1, 128], strides = [1, 1]} : vector<30x128xf32> to vector<1x128xf32>
    %get3A_34 = arith.constant 2 : index
    %get3A_35 = arith.constant 0 : index
    %get3A_36 = arith.constant 0 : index
    %get3A_37 = vector.load %arg3[%get3A_34, %get3A_35, %get3A_36] : memref<30x128x128xf32, #tpu.memory_space<vmem>>, vector<1x128x128xf32>
    %get3A_38 = vector.shape_cast %get3A_37 : vector<1x128x128xf32> to vector<128x128xf32>
    %dot_general3A_39 = arith.constant dense<0.000000e+00> : vector<1x128xf32>
    %dot_general3A_40 = tpu.matmul %slice3A_33, %get3A_38, %dot_general3A_39 {dimension_numbers = #tpu.dot_dimension_numbers<[1], [0], [0], [1], [0, 0, 1, 1], [], []>, transpose_lhs_hint = false} : vector<1x128xf32>, vector<128x128xf32>, vector<1x128xf32> -> vector<1x128xf32>
    %add3A_41 = arith.addf %add3A_32, %dot_general3A_40 : vector<1x128xf32>
    %slice3A_42 = vector.extract_strided_slice %dot_general3A_13 {offsets = [3, 0], sizes = [1, 128], strides = [1, 1]} : vector<30x128xf32> to vector<1x128xf32>
    %get3A_43 = arith.constant 3 : index
    %get3A_44 = arith.constant 0 : index
    %get3A_45 = arith.constant 0 : index
    %get3A_46 = vector.load %arg3[%get3A_43, %get3A_44, %get3A_45] : memref<30x128x128xf32, #tpu.memory_space<vmem>>, vector<1x128x128xf32>
    %get3A_47 = vector.shape_cast %get3A_46 : vector<1x128x128xf32> to vector<128x128xf32>
    %dot_general3A_48 = arith.constant dense<0.000000e+00> : vector<1x128xf32>
    %dot_general3A_49 = tpu.matmul %slice3A_42, %get3A_47, %dot_general3A_48 {dimension_numbers = #tpu.dot_dimension_numbers<[1], [0], [0], [1], [0, 0, 1, 1], [], []>, transpose_lhs_hint = false} : vector<1x128xf32>, vector<128x128xf32>, vector<1x128xf32> -> vector<1x128xf32>
    %add3A_50 = arith.addf %add3A_41, %dot_general3A_49 : vector<1x128xf32>
    %slice3A_51 = vector.extract_strided_slice %dot_general3A_13 {offsets = [4, 0], sizes = [1, 128], strides = [1, 1]} : vector<30x128xf32> to vector<1x128xf32>
    %get3A_52 = arith.constant 4 : index
    %get3A_53 = arith.constant 0 : index
    %get3A_54 = arith.constant 0 : index
    %get3A_55 = vector.load %arg3[%get3A_52, %get3A_53, %get3A_54] : memref<30x128x128xf32, #tpu.memory_space<vmem>>, vector<1x128x128xf32>
    %get3A_56 = vector.shape_cast %get3A_55 : vector<1x128x128xf32> to vector<128x128xf32>
    %dot_general3A_57 = arith.constant dense<0.000000e+00> : vector<1x128xf32>
    %dot_general3A_58 = tpu.matmul %slice3A_51, %get3A_56, %dot_general3A_57 {dimension_numbers = #tpu.dot_dimension_numbers<[1], [0], [0], [1], [0, 0, 1, 1], [], []>, transpose_lhs_hint = false} : vector<1x128xf32>, vector<128x128xf32>, vector<1x128xf32> -> vector<1x128xf32>
    %add3A_59 = arith.addf %add3A_50, %dot_general3A_58 : vector<1x128xf32>
    %slice3A_60 = vector.extract_strided_slice %dot_general3A_13 {offsets = [5, 0], sizes = [1, 128], strides = [1, 1]} : vector<30x128xf32> to vector<1x128xf32>
    %get3A_61 = arith.constant 5 : index
    %get3A_62 = arith.constant 0 : index
    %get3A_63 = arith.constant 0 : index
    %get3A_64 = vector.load %arg3[%get3A_61, %get3A_62, %get3A_63] : memref<30x128x128xf32, #tpu.memory_space<vmem>>, vector<1x128x128xf32>
    %get3A_65 = vector.shape_cast %get3A_64 : vector<1x128x128xf32> to vector<128x128xf32>
    %dot_general3A_66 = arith.constant dense<0.000000e+00> : vector<1x128xf32>
    %dot_general3A_67 = tpu.matmul %slice3A_60, %get3A_65, %dot_general3A_66 {dimension_numbers = #tpu.dot_dimension_numbers<[1], [0], [0], [1], [0, 0, 1, 1], [], []>, transpose_lhs_hint = false} : vector<1x128xf32>, vector<128x128xf32>, vector<1x128xf32> -> vector<1x128xf32>
    %add3A_68 = arith.addf %add3A_59, %dot_general3A_67 : vector<1x128xf32>
    %slice3A_69 = vector.extract_strided_slice %dot_general3A_13 {offsets = [6, 0], sizes = [1, 128], strides = [1, 1]} : vector<30x128xf32> to vector<1x128xf32>
    %get3A_70 = arith.constant 6 : index
    %get3A_71 = arith.constant 0 : index
    %get3A_72 = arith.constant 0 : index
    %get3A_73 = vector.load %arg3[%get3A_70, %get3A_71, %get3A_72] : memref<30x128x128xf32, #tpu.memory_space<vmem>>, vector<1x128x128xf32>
    %get3A_74 = vector.shape_cast %get3A_73 : vector<1x128x128xf32> to vector<128x128xf32>
    %dot_general3A_75 = arith.constant dense<0.000000e+00> : vector<1x128xf32>
    %dot_general3A_76 = tpu.matmul %slice3A_69, %get3A_74, %dot_general3A_75 {dimension_numbers = #tpu.dot_dimension_numbers<[1], [0], [0], [1], [0, 0, 1, 1], [], []>, transpose_lhs_hint = false} : vector<1x128xf32>, vector<128x128xf32>, vector<1x128xf32> -> vector<1x128xf32>
    %add3A_77 = arith.addf %add3A_68, %dot_general3A_76 : vector<1x128xf32>
    %slice3A_78 = vector.extract_strided_slice %dot_general3A_13 {offsets = [7, 0], sizes = [1, 128], strides = [1, 1]} : vector<30x128xf32> to vector<1x128xf32>
    %get3A_79 = arith.constant 7 : index
    %get3A_80 = arith.constant 0 : index
    %get3A_81 = arith.constant 0 : index
    %get3A_82 = vector.load %arg3[%get3A_79, %get3A_80, %get3A_81] : memref<30x128x128xf32, #tpu.memory_space<vmem>>, vector<1x128x128xf32>
    %get3A_83 = vector.shape_cast %get3A_82 : vector<1x128x128xf32> to vector<128x128xf32>
    %dot_general3A_84 = arith.constant dense<0.000000e+00> : vector<1x128xf32>
    %dot_general3A_85 = tpu.matmul %slice3A_78, %get3A_83, %dot_general3A_84 {dimension_numbers = #tpu.dot_dimension_numbers<[1], [0], [0], [1], [0, 0, 1, 1], [], []>, transpose_lhs_hint = false} : vector<1x128xf32>, vector<128x128xf32>, vector<1x128xf32> -> vector<1x128xf32>
    %add3A_86 = arith.addf %add3A_77, %dot_general3A_85 : vector<1x128xf32>
    %slice3A_87 = vector.extract_strided_slice %dot_general3A_13 {offsets = [8, 0], sizes = [1, 128], strides = [1, 1]} : vector<30x128xf32> to vector<1x128xf32>
    %get3A_88 = arith.constant 8 : index
    %get3A_89 = arith.constant 0 : index
    %get3A_90 = arith.constant 0 : index
    %get3A_91 = vector.load %arg3[%get3A_88, %get3A_89, %get3A_90] : memref<30x128x128xf32, #tpu.memory_space<vmem>>, vector<1x128x128xf32>
    %get3A_92 = vector.shape_cast %get3A_91 : vector<1x128x128xf32> to vector<128x128xf32>
    %dot_general3A_93 = arith.constant dense<0.000000e+00> : vector<1x128xf32>
    %dot_general3A_94 = tpu.matmul %slice3A_87, %get3A_92, %dot_general3A_93 {dimension_numbers = #tpu.dot_dimension_numbers<[1], [0], [0], [1], [0, 0, 1, 1], [], []>, transpose_lhs_hint = false} : vector<1x128xf32>, vector<128x128xf32>, vector<1x128xf32> -> vector<1x128xf32>
    %add3A_95 = arith.addf %add3A_86, %dot_general3A_94 : vector<1x128xf32>
    %slice3A_96 = vector.extract_strided_slice %dot_general3A_13 {offsets = [9, 0], sizes = [1, 128], strides = [1, 1]} : vector<30x128xf32> to vector<1x128xf32>
    %get3A_97 = arith.constant 9 : index
    %get3A_98 = arith.constant 0 : index
    %get3A_99 = arith.constant 0 : index
    %get3A_100 = vector.load %arg3[%get3A_97, %get3A_98, %get3A_99] : memref<30x128x128xf32, #tpu.memory_space<vmem>>, vector<1x128x128xf32>
    %get3A_101 = vector.shape_cast %get3A_100 : vector<1x128x128xf32> to vector<128x128xf32>
    %dot_general3A_102 = arith.constant dense<0.000000e+00> : vector<1x128xf32>
    %dot_general3A_103 = tpu.matmul %slice3A_96, %get3A_101, %dot_general3A_102 {dimension_numbers = #tpu.dot_dimension_numbers<[1], [0], [0], [1], [0, 0, 1, 1], [], []>, transpose_lhs_hint = false} : vector<1x128xf32>, vector<128x128xf32>, vector<1x128xf32> -> vector<1x128xf32>
    %add3A_104 = arith.addf %add3A_95, %dot_general3A_103 : vector<1x128xf32>
    %slice3A_105 = vector.extract_strided_slice %dot_general3A_13 {offsets = [10, 0], sizes = [1, 128], strides = [1, 1]} : vector<30x128xf32> to vector<1x128xf32>
    %get3A_106 = arith.constant 10 : index
    %get3A_107 = arith.constant 0 : index
    %get3A_108 = arith.constant 0 : index
    %get3A_109 = vector.load %arg3[%get3A_106, %get3A_107, %get3A_108] : memref<30x128x128xf32, #tpu.memory_space<vmem>>, vector<1x128x128xf32>
    %get3A_110 = vector.shape_cast %get3A_109 : vector<1x128x128xf32> to vector<128x128xf32>
    %dot_general3A_111 = arith.constant dense<0.000000e+00> : vector<1x128xf32>
    %dot_general3A_112 = tpu.matmul %slice3A_105, %get3A_110, %dot_general3A_111 {dimension_numbers = #tpu.dot_dimension_numbers<[1], [0], [0], [1], [0, 0, 1, 1], [], []>, transpose_lhs_hint = false} : vector<1x128xf32>, vector<128x128xf32>, vector<1x128xf32> -> vector<1x128xf32>
    %add3A_113 = arith.addf %add3A_104, %dot_general3A_112 : vector<1x128xf32>
    %slice3A_114 = vector.extract_strided_slice %dot_general3A_13 {offsets = [11, 0], sizes = [1, 128], strides = [1, 1]} : vector<30x128xf32> to vector<1x128xf32>
    %get3A_115 = arith.constant 11 : index
    %get3A_116 = arith.constant 0 : index
    %get3A_117 = arith.constant 0 : index
    %get3A_118 = vector.load %arg3[%get3A_115, %get3A_116, %get3A_117] : memref<30x128x128xf32, #tpu.memory_space<vmem>>, vector<1x128x128xf32>
    %get3A_119 = vector.shape_cast %get3A_118 : vector<1x128x128xf32> to vector<128x128xf32>
    %dot_general3A_120 = arith.constant dense<0.000000e+00> : vector<1x128xf32>
    %dot_general3A_121 = tpu.matmul %slice3A_114, %get3A_119, %dot_general3A_120 {dimension_numbers = #tpu.dot_dimension_numbers<[1], [0], [0], [1], [0, 0, 1, 1], [], []>, transpose_lhs_hint = false} : vector<1x128xf32>, vector<128x128xf32>, vector<1x128xf32> -> vector<1x128xf32>
    %add3A_122 = arith.addf %add3A_113, %dot_general3A_121 : vector<1x128xf32>
    %slice3A_123 = vector.extract_strided_slice %dot_general3A_13 {offsets = [12, 0], sizes = [1, 128], strides = [1, 1]} : vector<30x128xf32> to vector<1x128xf32>
    %get3A_124 = arith.constant 12 : index
    %get3A_125 = arith.constant 0 : index
    %get3A_126 = arith.constant 0 : index
    %get3A_127 = vector.load %arg3[%get3A_124, %get3A_125, %get3A_126] : memref<30x128x128xf32, #tpu.memory_space<vmem>>, vector<1x128x128xf32>
    %get3A_128 = vector.shape_cast %get3A_127 : vector<1x128x128xf32> to vector<128x128xf32>
    %dot_general3A_129 = arith.constant dense<0.000000e+00> : vector<1x128xf32>
    %dot_general3A_130 = tpu.matmul %slice3A_123, %get3A_128, %dot_general3A_129 {dimension_numbers = #tpu.dot_dimension_numbers<[1], [0], [0], [1], [0, 0, 1, 1], [], []>, transpose_lhs_hint = false} : vector<1x128xf32>, vector<128x128xf32>, vector<1x128xf32> -> vector<1x128xf32>
    %add3A_131 = arith.addf %add3A_122, %dot_general3A_130 : vector<1x128xf32>
    %slice3A_132 = vector.extract_strided_slice %dot_general3A_13 {offsets = [13, 0], sizes = [1, 128], strides = [1, 1]} : vector<30x128xf32> to vector<1x128xf32>
    %get3A_133 = arith.constant 13 : index
    %get3A_134 = arith.constant 0 : index
    %get3A_135 = arith.constant 0 : index
    %get3A_136 = vector.load %arg3[%get3A_133, %get3A_134, %get3A_135] : memref<30x128x128xf32, #tpu.memory_space<vmem>>, vector<1x128x128xf32>
    %get3A_137 = vector.shape_cast %get3A_136 : vector<1x128x128xf32> to vector<128x128xf32>
    %dot_general3A_138 = arith.constant dense<0.000000e+00> : vector<1x128xf32>
    %dot_general3A_139 = tpu.matmul %slice3A_132, %get3A_137, %dot_general3A_138 {dimension_numbers = #tpu.dot_dimension_numbers<[1], [0], [0], [1], [0, 0, 1, 1], [], []>, transpose_lhs_hint = false} : vector<1x128xf32>, vector<128x128xf32>, vector<1x128xf32> -> vector<1x128xf32>
    %add3A_140 = arith.addf %add3A_131, %dot_general3A_139 : vector<1x128xf32>
    %slice3A_141 = vector.extract_strided_slice %dot_general3A_13 {offsets = [14, 0], sizes = [1, 128], strides = [1, 1]} : vector<30x128xf32> to vector<1x128xf32>
    %get3A_142 = arith.constant 14 : index
    %get3A_143 = arith.constant 0 : index
    %get3A_144 = arith.constant 0 : index
    %get3A_145 = vector.load %arg3[%get3A_142, %get3A_143, %get3A_144] : memref<30x128x128xf32, #tpu.memory_space<vmem>>, vector<1x128x128xf32>
    %get3A_146 = vector.shape_cast %get3A_145 : vector<1x128x128xf32> to vector<128x128xf32>
    %dot_general3A_147 = arith.constant dense<0.000000e+00> : vector<1x128xf32>
    %dot_general3A_148 = tpu.matmul %slice3A_141, %get3A_146, %dot_general3A_147 {dimension_numbers = #tpu.dot_dimension_numbers<[1], [0], [0], [1], [0, 0, 1, 1], [], []>, transpose_lhs_hint = false} : vector<1x128xf32>, vector<128x128xf32>, vector<1x128xf32> -> vector<1x128xf32>
    %add3A_149 = arith.addf %add3A_140, %dot_general3A_148 : vector<1x128xf32>
    %slice3A_150 = vector.extract_strided_slice %dot_general3A_13 {offsets = [15, 0], sizes = [1, 128], strides = [1, 1]} : vector<30x128xf32> to vector<1x128xf32>
    %get3A_151 = arith.constant 15 : index
    %get3A_152 = arith.constant 0 : index
    %get3A_153 = arith.constant 0 : index
    %get3A_154 = vector.load %arg3[%get3A_151, %get3A_152, %get3A_153] : memref<30x128x128xf32, #tpu.memory_space<vmem>>, vector<1x128x128xf32>
    %get3A_155 = vector.shape_cast %get3A_154 : vector<1x128x128xf32> to vector<128x128xf32>
    %dot_general3A_156 = arith.constant dense<0.000000e+00> : vector<1x128xf32>
    %dot_general3A_157 = tpu.matmul %slice3A_150, %get3A_155, %dot_general3A_156 {dimension_numbers = #tpu.dot_dimension_numbers<[1], [0], [0], [1], [0, 0, 1, 1], [], []>, transpose_lhs_hint = false} : vector<1x128xf32>, vector<128x128xf32>, vector<1x128xf32> -> vector<1x128xf32>
    %add3A_158 = arith.addf %add3A_149, %dot_general3A_157 : vector<1x128xf32>
    %slice3A_159 = vector.extract_strided_slice %dot_general3A_13 {offsets = [16, 0], sizes = [1, 128], strides = [1, 1]} : vector<30x128xf32> to vector<1x128xf32>
    %get3A_160 = arith.constant 16 : index
    %get3A_161 = arith.constant 0 : index
    %get3A_162 = arith.constant 0 : index
    %get3A_163 = vector.load %arg3[%get3A_160, %get3A_161, %get3A_162] : memref<30x128x128xf32, #tpu.memory_space<vmem>>, vector<1x128x128xf32>
    %get3A_164 = vector.shape_cast %get3A_163 : vector<1x128x128xf32> to vector<128x128xf32>
    %dot_general3A_165 = arith.constant dense<0.000000e+00> : vector<1x128xf32>
    %dot_general3A_166 = tpu.matmul %slice3A_159, %get3A_164, %dot_general3A_165 {dimension_numbers = #tpu.dot_dimension_numbers<[1], [0], [0], [1], [0, 0, 1, 1], [], []>, transpose_lhs_hint = false} : vector<1x128xf32>, vector<128x128xf32>, vector<1x128xf32> -> vector<1x128xf32>
    %add3A_167 = arith.addf %add3A_158, %dot_general3A_166 : vector<1x128xf32>
    %slice3A_168 = vector.extract_strided_slice %dot_general3A_13 {offsets = [17, 0], sizes = [1, 128], strides = [1, 1]} : vector<30x128xf32> to vector<1x128xf32>
    %get3A_169 = arith.constant 17 : index
    %get3A_170 = arith.constant 0 : index
    %get3A_171 = arith.constant 0 : index
    %get3A_172 = vector.load %arg3[%get3A_169, %get3A_170, %get3A_171] : memref<30x128x128xf32, #tpu.memory_space<vmem>>, vector<1x128x128xf32>
    %get3A_173 = vector.shape_cast %get3A_172 : vector<1x128x128xf32> to vector<128x128xf32>
    %dot_general3A_174 = arith.constant dense<0.000000e+00> : vector<1x128xf32>
    %dot_general3A_175 = tpu.matmul %slice3A_168, %get3A_173, %dot_general3A_174 {dimension_numbers = #tpu.dot_dimension_numbers<[1], [0], [0], [1], [0, 0, 1, 1], [], []>, transpose_lhs_hint = false} : vector<1x128xf32>, vector<128x128xf32>, vector<1x128xf32> -> vector<1x128xf32>
    %add3A_176 = arith.addf %add3A_167, %dot_general3A_175 : vector<1x128xf32>
    %slice3A_177 = vector.extract_strided_slice %dot_general3A_13 {offsets = [18, 0], sizes = [1, 128], strides = [1, 1]} : vector<30x128xf32> to vector<1x128xf32>
    %get3A_178 = arith.constant 18 : index
    %get3A_179 = arith.constant 0 : index
    %get3A_180 = arith.constant 0 : index
    %get3A_181 = vector.load %arg3[%get3A_178, %get3A_179, %get3A_180] : memref<30x128x128xf32, #tpu.memory_space<vmem>>, vector<1x128x128xf32>
    %get3A_182 = vector.shape_cast %get3A_181 : vector<1x128x128xf32> to vector<128x128xf32>
    %dot_general3A_183 = arith.constant dense<0.000000e+00> : vector<1x128xf32>
    %dot_general3A_184 = tpu.matmul %slice3A_177, %get3A_182, %dot_general3A_183 {dimension_numbers = #tpu.dot_dimension_numbers<[1], [0], [0], [1], [0, 0, 1, 1], [], []>, transpose_lhs_hint = false} : vector<1x128xf32>, vector<128x128xf32>, vector<1x128xf32> -> vector<1x128xf32>
    %add3A_185 = arith.addf %add3A_176, %dot_general3A_184 : vector<1x128xf32>
    %slice3A_186 = vector.extract_strided_slice %dot_general3A_13 {offsets = [19, 0], sizes = [1, 128], strides = [1, 1]} : vector<30x128xf32> to vector<1x128xf32>
    %get3A_187 = arith.constant 19 : index
    %get3A_188 = arith.constant 0 : index
    %get3A_189 = arith.constant 0 : index
    %get3A_190 = vector.load %arg3[%get3A_187, %get3A_188, %get3A_189] : memref<30x128x128xf32, #tpu.memory_space<vmem>>, vector<1x128x128xf32>
    %get3A_191 = vector.shape_cast %get3A_190 : vector<1x128x128xf32> to vector<128x128xf32>
    %dot_general3A_192 = arith.constant dense<0.000000e+00> : vector<1x128xf32>
    %dot_general3A_193 = tpu.matmul %slice3A_186, %get3A_191, %dot_general3A_192 {dimension_numbers = #tpu.dot_dimension_numbers<[1], [0], [0], [1], [0, 0, 1, 1], [], []>, transpose_lhs_hint = false} : vector<1x128xf32>, vector<128x128xf32>, vector<1x128xf32> -> vector<1x128xf32>
    %add3A_194 = arith.addf %add3A_185, %dot_general3A_193 : vector<1x128xf32>
    %slice3A_195 = vector.extract_strided_slice %dot_general3A_13 {offsets = [20, 0], sizes = [1, 128], strides = [1, 1]} : vector<30x128xf32> to vector<1x128xf32>
    %get3A_196 = arith.constant 20 : index
    %get3A_197 = arith.constant 0 : index
    %get3A_198 = arith.constant 0 : index
    %get3A_199 = vector.load %arg3[%get3A_196, %get3A_197, %get3A_198] : memref<30x128x128xf32, #tpu.memory_space<vmem>>, vector<1x128x128xf32>
    %get3A_200 = vector.shape_cast %get3A_199 : vector<1x128x128xf32> to vector<128x128xf32>
    %dot_general3A_201 = arith.constant dense<0.000000e+00> : vector<1x128xf32>
    %dot_general3A_202 = tpu.matmul %slice3A_195, %get3A_200, %dot_general3A_201 {dimension_numbers = #tpu.dot_dimension_numbers<[1], [0], [0], [1], [0, 0, 1, 1], [], []>, transpose_lhs_hint = false} : vector<1x128xf32>, vector<128x128xf32>, vector<1x128xf32> -> vector<1x128xf32>
    %add3A_203 = arith.addf %add3A_194, %dot_general3A_202 : vector<1x128xf32>
    %slice3A_204 = vector.extract_strided_slice %dot_general3A_13 {offsets = [21, 0], sizes = [1, 128], strides = [1, 1]} : vector<30x128xf32> to vector<1x128xf32>
    %get3A_205 = arith.constant 21 : index
    %get3A_206 = arith.constant 0 : index
    %get3A_207 = arith.constant 0 : index
    %get3A_208 = vector.load %arg3[%get3A_205, %get3A_206, %get3A_207] : memref<30x128x128xf32, #tpu.memory_space<vmem>>, vector<1x128x128xf32>
    %get3A_209 = vector.shape_cast %get3A_208 : vector<1x128x128xf32> to vector<128x128xf32>
    %dot_general3A_210 = arith.constant dense<0.000000e+00> : vector<1x128xf32>
    %dot_general3A_211 = tpu.matmul %slice3A_204, %get3A_209, %dot_general3A_210 {dimension_numbers = #tpu.dot_dimension_numbers<[1], [0], [0], [1], [0, 0, 1, 1], [], []>, transpose_lhs_hint = false} : vector<1x128xf32>, vector<128x128xf32>, vector<1x128xf32> -> vector<1x128xf32>
    %add3A_212 = arith.addf %add3A_203, %dot_general3A_211 : vector<1x128xf32>
    %slice3A_213 = vector.extract_strided_slice %dot_general3A_13 {offsets = [22, 0], sizes = [1, 128], strides = [1, 1]} : vector<30x128xf32> to vector<1x128xf32>
    %get3A_214 = arith.constant 22 : index
    %get3A_215 = arith.constant 0 : index
    %get3A_216 = arith.constant 0 : index
    %get3A_217 = vector.load %arg3[%get3A_214, %get3A_215, %get3A_216] : memref<30x128x128xf32, #tpu.memory_space<vmem>>, vector<1x128x128xf32>
    %get3A_218 = vector.shape_cast %get3A_217 : vector<1x128x128xf32> to vector<128x128xf32>
    %dot_general3A_219 = arith.constant dense<0.000000e+00> : vector<1x128xf32>
    %dot_general3A_220 = tpu.matmul %slice3A_213, %get3A_218, %dot_general3A_219 {dimension_numbers = #tpu.dot_dimension_numbers<[1], [0], [0], [1], [0, 0, 1, 1], [], []>, transpose_lhs_hint = false} : vector<1x128xf32>, vector<128x128xf32>, vector<1x128xf32> -> vector<1x128xf32>
    %add3A_221 = arith.addf %add3A_212, %dot_general3A_220 : vector<1x128xf32>
    %slice3A_222 = vector.extract_strided_slice %dot_general3A_13 {offsets = [23, 0], sizes = [1, 128], strides = [1, 1]} : vector<30x128xf32> to vector<1x128xf32>
    %get3A_223 = arith.constant 23 : index
    %get3A_224 = arith.constant 0 : index
    %get3A_225 = arith.constant 0 : index
    %get3A_226 = vector.load %arg3[%get3A_223, %get3A_224, %get3A_225] : memref<30x128x128xf32, #tpu.memory_space<vmem>>, vector<1x128x128xf32>
    %get3A_227 = vector.shape_cast %get3A_226 : vector<1x128x128xf32> to vector<128x128xf32>
    %dot_general3A_228 = arith.constant dense<0.000000e+00> : vector<1x128xf32>
    %dot_general3A_229 = tpu.matmul %slice3A_222, %get3A_227, %dot_general3A_228 {dimension_numbers = #tpu.dot_dimension_numbers<[1], [0], [0], [1], [0, 0, 1, 1], [], []>, transpose_lhs_hint = false} : vector<1x128xf32>, vector<128x128xf32>, vector<1x128xf32> -> vector<1x128xf32>
    %add3A_230 = arith.addf %add3A_221, %dot_general3A_229 : vector<1x128xf32>
    %slice3A_231 = vector.extract_strided_slice %dot_general3A_13 {offsets = [24, 0], sizes = [1, 128], strides = [1, 1]} : vector<30x128xf32> to vector<1x128xf32>
    %get3A_232 = arith.constant 24 : index
    %get3A_233 = arith.constant 0 : index
    %get3A_234 = arith.constant 0 : index
    %get3A_235 = vector.load %arg3[%get3A_232, %get3A_233, %get3A_234] : memref<30x128x128xf32, #tpu.memory_space<vmem>>, vector<1x128x128xf32>
    %get3A_236 = vector.shape_cast %get3A_235 : vector<1x128x128xf32> to vector<128x128xf32>
    %dot_general3A_237 = arith.constant dense<0.000000e+00> : vector<1x128xf32>
    %dot_general3A_238 = tpu.matmul %slice3A_231, %get3A_236, %dot_general3A_237 {dimension_numbers = #tpu.dot_dimension_numbers<[1], [0], [0], [1], [0, 0, 1, 1], [], []>, transpose_lhs_hint = false} : vector<1x128xf32>, vector<128x128xf32>, vector<1x128xf32> -> vector<1x128xf32>
    %add3A_239 = arith.addf %add3A_230, %dot_general3A_238 : vector<1x128xf32>
    %slice3A_240 = vector.extract_strided_slice %dot_general3A_13 {offsets = [25, 0], sizes = [1, 128], strides = [1, 1]} : vector<30x128xf32> to vector<1x128xf32>
    %get3A_241 = arith.constant 25 : index
    %get3A_242 = arith.constant 0 : index
    %get3A_243 = arith.constant 0 : index
    %get3A_244 = vector.load %arg3[%get3A_241, %get3A_242, %get3A_243] : memref<30x128x128xf32, #tpu.memory_space<vmem>>, vector<1x128x128xf32>
    %get3A_245 = vector.shape_cast %get3A_244 : vector<1x128x128xf32> to vector<128x128xf32>
    %dot_general3A_246 = arith.constant dense<0.000000e+00> : vector<1x128xf32>
    %dot_general3A_247 = tpu.matmul %slice3A_240, %get3A_245, %dot_general3A_246 {dimension_numbers = #tpu.dot_dimension_numbers<[1], [0], [0], [1], [0, 0, 1, 1], [], []>, transpose_lhs_hint = false} : vector<1x128xf32>, vector<128x128xf32>, vector<1x128xf32> -> vector<1x128xf32>
    %add3A_248 = arith.addf %add3A_239, %dot_general3A_247 : vector<1x128xf32>
    %slice3A_249 = vector.extract_strided_slice %dot_general3A_13 {offsets = [26, 0], sizes = [1, 128], strides = [1, 1]} : vector<30x128xf32> to vector<1x128xf32>
    %get3A_250 = arith.constant 26 : index
    %get3A_251 = arith.constant 0 : index
    %get3A_252 = arith.constant 0 : index
    %get3A_253 = vector.load %arg3[%get3A_250, %get3A_251, %get3A_252] : memref<30x128x128xf32, #tpu.memory_space<vmem>>, vector<1x128x128xf32>
    %get3A_254 = vector.shape_cast %get3A_253 : vector<1x128x128xf32> to vector<128x128xf32>
    %dot_general3A_255 = arith.constant dense<0.000000e+00> : vector<1x128xf32>
    %dot_general3A_256 = tpu.matmul %slice3A_249, %get3A_254, %dot_general3A_255 {dimension_numbers = #tpu.dot_dimension_numbers<[1], [0], [0], [1], [0, 0, 1, 1], [], []>, transpose_lhs_hint = false} : vector<1x128xf32>, vector<128x128xf32>, vector<1x128xf32> -> vector<1x128xf32>
    %add3A_257 = arith.addf %add3A_248, %dot_general3A_256 : vector<1x128xf32>
    %slice3A_258 = vector.extract_strided_slice %dot_general3A_13 {offsets = [27, 0], sizes = [1, 128], strides = [1, 1]} : vector<30x128xf32> to vector<1x128xf32>
    %get3A_259 = arith.constant 27 : index
    %get3A_260 = arith.constant 0 : index
    %get3A_261 = arith.constant 0 : index
    %get3A_262 = vector.load %arg3[%get3A_259, %get3A_260, %get3A_261] : memref<30x128x128xf32, #tpu.memory_space<vmem>>, vector<1x128x128xf32>
    %get3A_263 = vector.shape_cast %get3A_262 : vector<1x128x128xf32> to vector<128x128xf32>
    %dot_general3A_264 = arith.constant dense<0.000000e+00> : vector<1x128xf32>
    %dot_general3A_265 = tpu.matmul %slice3A_258, %get3A_263, %dot_general3A_264 {dimension_numbers = #tpu.dot_dimension_numbers<[1], [0], [0], [1], [0, 0, 1, 1], [], []>, transpose_lhs_hint = false} : vector<1x128xf32>, vector<128x128xf32>, vector<1x128xf32> -> vector<1x128xf32>
    %add3A_266 = arith.addf %add3A_257, %dot_general3A_265 : vector<1x128xf32>
    %slice3A_267 = vector.extract_strided_slice %dot_general3A_13 {offsets = [28, 0], sizes = [1, 128], strides = [1, 1]} : vector<30x128xf32> to vector<1x128xf32>
    %get3A_268 = arith.constant 28 : index
    %get3A_269 = arith.constant 0 : index
    %get3A_270 = arith.constant 0 : index
    %get3A_271 = vector.load %arg3[%get3A_268, %get3A_269, %get3A_270] : memref<30x128x128xf32, #tpu.memory_space<vmem>>, vector<1x128x128xf32>
    %get3A_272 = vector.shape_cast %get3A_271 : vector<1x128x128xf32> to vector<128x128xf32>
    %dot_general3A_273 = arith.constant dense<0.000000e+00> : vector<1x128xf32>
    %dot_general3A_274 = tpu.matmul %slice3A_267, %get3A_272, %dot_general3A_273 {dimension_numbers = #tpu.dot_dimension_numbers<[1], [0], [0], [1], [0, 0, 1, 1], [], []>, transpose_lhs_hint = false} : vector<1x128xf32>, vector<128x128xf32>, vector<1x128xf32> -> vector<1x128xf32>
    %add3A_275 = arith.addf %add3A_266, %dot_general3A_274 : vector<1x128xf32>
    %slice3A_276 = vector.extract_strided_slice %dot_general3A_13 {offsets = [29, 0], sizes = [1, 128], strides = [1, 1]} : vector<30x128xf32> to vector<1x128xf32>
    %get3A_277 = arith.constant 29 : index
    %get3A_278 = arith.constant 0 : index
    %get3A_279 = arith.constant 0 : index
    %get3A_280 = vector.load %arg3[%get3A_277, %get3A_278, %get3A_279] : memref<30x128x128xf32, #tpu.memory_space<vmem>>, vector<1x128x128xf32>
    %get3A_281 = vector.shape_cast %get3A_280 : vector<1x128x128xf32> to vector<128x128xf32>
    %dot_general3A_282 = arith.constant dense<0.000000e+00> : vector<1x128xf32>
    %dot_general3A_283 = tpu.matmul %slice3A_276, %get3A_281, %dot_general3A_282 {dimension_numbers = #tpu.dot_dimension_numbers<[1], [0], [0], [1], [0, 0, 1, 1], [], []>, transpose_lhs_hint = false} : vector<1x128xf32>, vector<128x128xf32>, vector<1x128xf32> -> vector<1x128xf32>
    %add3A_284 = arith.addf %add3A_275, %dot_general3A_283 : vector<1x128xf32>
    %mul3A = arith.constant 9.99999974E-5 : f32
    %mul3A_285 = vector.broadcast %mul3A : f32 to vector<1x128xf32>
    %mul3A_286 = arith.mulf %add3A_284, %mul3A_285 : vector<1x128xf32>
    %get3A_287 = arith.constant 0 : index
    %get3A_288 = arith.constant 0 : index
    %get3A_289 = vector.load %arg5[%get3A_287, %get3A_288] : memref<1x10000xf32, #tpu.memory_space<vmem>>, vector<1x10000xf32>
    %get3A_290 = arith.constant 0 : index
    %get3A_291 = arith.constant 0 : index
    %get3A_292 = vector.load %arg4[%get3A_290, %get3A_291] : memref<128x10000xf32, #tpu.memory_space<vmem>>, vector<128x10000xf32>
    %dot_general3A_293 = arith.constant dense<0.000000e+00> : vector<1x10000xf32>
    %dot_general3A_294 = tpu.matmul %mul3A_286, %get3A_292, %dot_general3A_293 {dimension_numbers = #tpu.dot_dimension_numbers<[1], [0], [0], [1], [0, 0, 1, 1], [], []>, transpose_lhs_hint = false} : vector<1x128xf32>, vector<128x10000xf32>, vector<1x10000xf32> -> vector<1x10000xf32>
    %add3A_295 = arith.addf %get3A_289, %dot_general3A_294 : vector<1x10000xf32>
    %swap3A = arith.constant 0 : index
    %swap3A_296 = arith.constant 0 : index
    %swap3A_297 = vector.load %arg6[%swap3A, %swap3A_296] : memref<1x10000xf32, #tpu.memory_space<vmem>>, vector<1x10000xf32>
    tpu.vector_store %arg6[%swap3A, %swap3A_296], %add3A_295 {strides = array<i32>} : memref<1x10000xf32, #tpu.memory_space<vmem>>, vector<1x10000xf32>,
    return
  }
}

</mosaic_0001>

<sc_bundles>
// kernel: kernel.5.cloned.1.call-start
scs
__scs_entry_jumppad:
0x0: {  	(pc) =	sbr.rel $0x88, $3  }
0x1: {  	(tag) =	ssettag $0x0;
	lr =	simm.s32 $0x1  }
0x2: {  	[smem:$0x3F98] =	sst lr;
	_ =	strace $0xD0000000  }
0x3: {  	_ = 	snop  }
0x4: {  	_ = 	snop  }
0x5: {  	_ = 	snop  }
0x6: {  	_ = 	snop  }
0x7: {  	_ = 	snop  }
__scs_overlays_trampoline_lowered:
0x8: {  	[smem:$0x3FA7] =	sst s0  }
0x9: {  	[smem:$0x3FA8] =	sst s1  }
0xa: {  	[smem:$0x3FA9] =	sst s2  }
0xb: {  	[smem:$0x3FAA] =	sst s3  }
0xc: {  	[smem:$0x3FAB] =	sst s4  }
0xd: {  	[smem:$0x3FAC] =	sst s5  }
0xe: {  	[smem:$0x3FAD] =	sst s6  }
0xf: {  	[smem:$0x3FAE] =	sst s7  }
0x10: {  	[smem:$0x3FAF] =	sst s8  }
0x11: {  	[smem:$0x3FB0] =	sst s9;
	s0 =	simm.s32 @!p0 $0x0  }
0x12: {  	s1 =	sld [smem:$0x3F96];
	s0 =	simm.s32 @p0 $0x1  }
0x13: {  	[smem:$0x3FB1] =	sst s0;
	s0 =	simm.s32 @!p1 $0x0  }
0x14: {  	s2 =	sld [smem:$0x3F95];
	s0 =	simm.s32 @p1 $0x1  }
0x15: {  	[smem:$0x3FB2] =	sst s0;
	s0 =	simm.s32 @!p2 $0x0  }
0x16: {  	s3 =	sld [smem:$0x3FDB];
	s0 =	simm.s32 @p2 $0x1  }
0x17: {  	s4 =	simm.s32 $0x1BF5;
	[smem:$0x3FB4] =	sst s0  }
0x18: {  	s0 =	sld [smem:$0x3F97];
	_ =	swait.ge [sflag:s4], $0x0  }
0x19: {  	s7 =	sld [smem:$0x3F98]  }
0x1a: {  	s8 =	sadd.s32 $0xFFFFE003, lr  }
0x1b: {  	s9 =	sadd.s32 $0xFFFFFEF7, lr;
	s5 =	simm.s32 $0xFFFFFFFF;
	p2 =	slt.u32 s8, $0xFFFFF086  }
0x1c: {  	p1 =	slt.u32 s9, $0xF7A;
	s5 =	simm.s32 @!p2 $0x0  }
0x1d: {  	s5 =	simm.s32 @p1 $0x1;
	p0 =	seq.s32 s7, s2  }
0x1e: {  	s7 =	smul.u32 @!p0 $0xF7A, s2;
	p2 =	seq.s32 @!p0 s5, $0x0  }
0x1f: {  	s9 =	smul.u32 $0xF7A, s1;
	s8 =	simm.s32 @!p0 $0x1BF5;
	p2 =	por !p2, p0  }
0x20: {  	[sflag:s8] =	ssyncset.s32 @!p0 $0xFFFFF086;
	s6 =	sadd.s32 @!p0 s3, s7;
	s7 =	simm.s32 @!p0 $0x108  }
0x21: {  	s3 =	sadd.s32 s3, s9;
	s6 =	sadd.s32 @!p0 $0x88, s6;
	s7 =	simm.s32 @p2 $0x1082  }
0x22: {  	[simem:s7], [sflag:s8] =	dma.local @!p0 [hbm:s6], $0xF7A  }
0x23: {  	s9 =	sor.u32 $0xD0000000, s2;
	s6 =	simm.s32 $0x108;
	_ =	swait.ge @!p0 [sflag:s8], $0x0  }
0x24: {  	s3 =	sadd.s32 $0x88, s3;
	s6 =	simm.s32 @!p1 $0x1082;
	[sflag:s4] =	ssyncset.s32 $0xFFFFF086  }
0x25: {  	[simem:s6], [sflag:s4] =	dma.local [hbm:s3], $0xF7A  }
0x26: {  	[smem:$0x3F98] =	sst s1;
	(tag) =	ssettag s2;
	_ =	strace s9  }
0x27: {  	s1 =	sld [smem:$0x3FA8]  }
0x28: {  	s2 =	sld [smem:$0x3FA9]  }
0x29: {  	s4 =	sld [smem:$0x3FAB]  }
0x2a: {  	p0 =	seq.s32 s5, $0x0;
	s5 =	sld [smem:$0x3FAC]  }
0x2b: {  	s6 =	sld [smem:$0x3FAD]  }
0x2c: {  	s7 =	sld [smem:$0x3FAE]  }
0x2d: {  	s3 =	simm.s32 $0x108;
	s8 =	sld [smem:$0x3FAF]  }
0x2e: {  	s3 =	simm.s32 @!p0 $0x1082;
	s9 =	sld [smem:$0x3FB0]  }
0x2f: {  	lr =	sadd.s32 s0, s3;
	s0 =	sld [smem:$0x3FA7]  }
0x30: {  	s3 =	sld [smem:$0x3FAA]  }
0x31: {  	[smem:$0x3FB3] =	sst s10  }
0x32: {  	s10 =	sld [smem:$0x3FB1];
	_ =	sdelay $0x3  }
0x33: {  	p0 =	seq.s32 s10, $0x1;
	s10 =	sld [smem:$0x3FB3];
	_ =	sdelay $0x3  }
0x34: {  	[smem:$0x3FB3] =	sst s10  }
0x35: {  	s10 =	sld [smem:$0x3FB2];
	_ =	sdelay $0x3  }
0x36: {  	p1 =	seq.s32 s10, $0x1;
	s10 =	sld [smem:$0x3FB3];
	_ =	sdelay $0x3  }
0x37: {  	[smem:$0x3FB3] =	sst s10  }
0x38: {  	s10 =	sld [smem:$0x3FB4]  }
0x39: {  	_ = 	snop;
	(pc) =	sbr.ind lr, $3  }
0x3a: {  	_ = 	snop  }
0x3b: {  	_ = 	snop  }
0x3c: {  	p2 =	seq.s32 s10, $0x1;
	s10 =	sld [smem:$0x3FB3]  }
0x3d: {  	_ =	shalt  }
0x3e: {  	_ =	shalt  }
0x3f: {  	_ =	shalt  }
0x40: {  	_ =	shalt  }
0x41: {  	_ =	shalt  }
0x42: {  	_ =	shalt  }
0x43: {  	_ =	shalt  }
0x44: {  	_ =	shalt  }
0x45: {  	_ =	shalt  }
0x46: {  	_ =	shalt  }
0x47: {  	_ =	shalt  }
0x48: {  	_ =	shalt  }
0x49: {  	_ =	shalt  }
0x4a: {  	_ =	shalt  }
0x4b: {  	_ =	shalt  }
0x4c: {  	_ =	shalt  }
0x4d: {  	_ =	shalt  }
0x4e: {  	_ =	shalt  }
0x4f: {  	_ =	shalt  }
0x50: {  	_ =	shalt  }
0x51: {  	_ =	shalt  }
0x52: {  	_ =	shalt  }
0x53: {  	_ =	shalt  }
0x54: {  	_ =	shalt  }
0x55: {  	_ =	shalt  }
0x56: {  	_ =	shalt  }
0x57: {  	_ =	shalt  }
0x58: {  	_ =	shalt  }
0x59: {  	_ =	shalt  }
0x5a: {  	_ =	shalt  }
0x5b: {  	_ =	shalt  }
0x5c: {  	_ =	shalt  }
0x5d: {  	_ =	shalt  }
0x5e: {  	_ =	shalt  }
0x5f: {  	_ =	shalt  }
0x60: {  	_ =	shalt  }
0x61: {  	_ =	shalt  }
0x62: {  	_ =	shalt  }
0x63: {  	_ =	shalt  }
0x64: {  	_ =	shalt  }
0x65: {  	_ =	shalt  }
0x66: {  	_ =	shalt  }
0x67: {  	_ =	shalt  }
0x68: {  	_ =	shalt  }
0x69: {  	_ =	shalt  }
0x6a: {  	_ =	shalt  }
0x6b: {  	_ =	shalt  }
0x6c: {  	_ =	shalt  }
0x6d: {  	_ =	shalt  }
0x6e: {  	_ =	shalt  }
0x6f: {  	_ =	shalt  }
0x70: {  	_ =	shalt  }
0x71: {  	_ =	shalt  }
0x72: {  	_ =	shalt  }
0x73: {  	_ =	shalt  }
0x74: {  	_ =	shalt  }
0x75: {  	_ =	shalt  }
0x76: {  	_ =	shalt  }
0x77: {  	_ =	shalt  }
0x78: {  	_ =	shalt  }
0x79: {  	_ =	shalt  }
0x7a: {  	_ =	shalt  }
0x7b: {  	_ =	shalt  }
0x7c: {  	_ =	shalt  }
0x7d: {  	_ =	shalt  }
0x7e: {  	_ =	shalt  }
0x7f: {  	_ =	shalt  }
0x80: {  	_ =	shalt  }
0x81: {  	_ =	shalt  }
0x82: {  	_ =	shalt  }
0x83: {  	_ =	shalt  }
0x84: {  	_ =	shalt  }
0x85: {  	_ =	shalt  }
0x86: {  	_ =	shalt  }
0x87: {  	_ =	shalt  }
.Lfunc_end0:
.L_simem_size_0:
called_computation_lowered:
.L_overlay_start_0:
0x88: {  	s2 =	sld [smem:$0x3FD9]  }
0x89: {  	s3 =	sld [smem:$0x3FFE];
	_ =	sdelay $0x1  }
0x8a: {  	s1 =	srdreg.scid  }
0x8b: {  	s0 =	sand.u32 $0x1, s1  }
0x8c: {  	s17 =	sshll.u32 s0, $0xA;
	s2 =	sadd.s32 s3, s2  }
0x8d: {  	s2 =	sadd.s32 s2, s17  }
0x8e: {  	[smem:$0x3FBF] =	sst s2  }
0x8f: {  	_ = 	snop  }
0x90: {  	s2 =	sld [smem:$0x3FC9]  }
0x91: {  	s18 =	sld [smem:$0x3FC8];
	(tm) =	ssettm $0x1  }
0x92: {  	s4 =	sld [smem:$0x3FFB];
	_ =	sdelay $0x3  }
0x93: {  	_ =	strace s4  }
0x94: {  	s4 =	sld [smem:$0x3FFC];
	_ =	sdelay $0x3  }
0x95: {  	_ =	strace s4  }
0x96: {  	s4 =	sld [smem:$0x3FFD];
	_ =	sdelay $0x3  }
0x97: {  	_ =	strace s4  }
0x98: {  	_ =	strace $0x8FFFFFFF  }
0x99: {  	s19 =	sld [smem:$0x3FDB];
	_ =	sdelay $0x1  }
0x9a: {  	s5 =	simm.s32 $_scs_section_size  }
0x9b: {  	s6 =	simm.s32 $_size__tile_overlayer_lowered;
	s7 =	simm.s32 $_tile_overlayer_lowered  }
0x9c: {  	s22 =	simm.s32 $0x1BFF;
	s21 =	sshll.u32 s7, $0x1;
	s4 =	sadd.s32 s5, s19  }
0x9d: {  	s8 =	simm.s32 $0x0;
	s20 =	sshll.u32 s6, $0x1;
	s6 =	sadd.s32 s21, s4  }
0x9e: {  	[timem:s8], [sflag:s22] =	dma.local [hbm:s6], s20  }
0x9f: {  	_ =	swait.ge [sflag:s22], s20  }
0xa0: {  	s5 =	ssub.s32 $0x0, s20;
	[sflag:s22] =	ssyncset.done $0x0  }
0xa1: {  	[sflag:s22] =	ssyncadd.s32 s5;
	_ =	sdelay $0x1  }
0xa2: {  	s23 =	simm.s32 $0x1B8B  }
0xa3: {  	_ =	swait.ge [sflag:s23], $0x1  }
0xa4: {  	[sflag:s23] =	ssyncset.done $0x0  }
0xa5: {  	s25 =	simm.s32 $0x1B8E;
	s24 =	sld [smem:$0x3FFE];
	[sflag:s23] =	ssyncadd.s32 $0xFFFFFFFF  }
0xa6: {  	s26 =	simm.s32 $execute0_lowered;
	[smem:$0x3FD2] =	sst s25  }
0xa7: {  	s6 =	sshll.u32 s26, $0x1;
	_ =	strace $0x80000046;
	[dreg:$0x1] =	wrdreg $0xFFFFFFFF  }
0xa8: {  	s28 =	simm.s32 $_size_execute0_lowered;
	s4 =	sadd.s32 s4, s6;
	[dreg:$0x0] =	wrdreg $0x0  }
0xa9: {  	s6 =	sshll.u32 s28, $0x1;
	[dreg:$0x2] =	wrdreg s4  }
0xaa: {  	[dreg:$0x3] =	wrdreg s6  }
0xab: {  	[dreg:$0x4] =	wrdreg $0xC0  }
0xac: {  	_ =	task [dreg:s8], $0x5FFFF  }
0xad: {  	[dreg:$0x1] =	wrdreg $0xFFFFFFFF  }
0xae: {  	[dreg:$0x0] =	wrdreg $0x60  }
0xaf: {  	[dreg:$0x2] =	wrdreg s2  }
0xb0: {  	[dreg:$0x3] =	wrdreg s18  }
0xb1: {  	[dreg:$0x4] =	wrdreg s24  }
0xb2: {  	[dreg:$0x5] =	wrdreg $0x195000  }
0xb3: {  	[dreg:$0x6] =	wrdreg $0x9  }
0xb4: {  	_ =	task.clear_ibuf [dreg:s8], $0x7FFFF;
	_ =	strace $0x90000046  }
0xb5: {  	s29 =	simm.s32 $0x9;
	_ =	strace $0x8000004C  }
0xb6: {  	_ =	swait.ge [sflag:s29], $0x1  }
0xb7: {  	[sflag:s29] =	ssyncadd.s32 $0xFFFFFFFF  }
0xb8: {  	_ =	strace $0x9000004C  }
0xb9: {  	_ =	sfence  }
0xba: {  	s30 =	sld [smem:$0x0];
	_ =	sdelay $0x2  }
0xbb: {  	s31 =	sshll.u32 s1, $0xD;
	s1 =	sshrl.u32 s1, $0x2  }
0xbc: {  	s3 =	sand.u32 $0x4000, s31;
	s1 =	sadd.s32 s1, s30  }
0xbd: {  	s0 =	sor.u32 s3, s0;
	s1 =	sshll.u32 s1, $0x11  }
0xbe: {  	s0 =	sor.u32 s1, s0  }
0xbf: {  	s0 =	sadd.s32 $0x8F2B, s0  }
0xc0: {  	[sflag:s0] =	ssyncadd.remote.s32 $0x1  }
0xc1: {  	_ =	sfence.sel $0xFFFF  }
0xc2: {  	[dreg:$0x0] =	wrdreg $0xFFFFFFFF;
	(pc) =	sbr.abs _section_cstart, $3  }
0xc3: {  	[dreg:$0x1] =	wrdreg $0xFFFFFFFF  }
0xc4: {  	_ =	task.clear_ibuf [dreg:s8], $0x2FFFF;
	_ =	strace $0x9FFFFFFF  }
0xc5: {  	(tm) =	ssettm $0x7FFFFFFF  }
tec
execute0_lowered:
.L_overlay_start_1:
0x0: {  	(tag) =	ssettag $0x1  }
0x1: {  	s0 =	rddreg [dreg:$0x0]  }
0x2: {  	s1 =	srdreg.scid;
	s2 =	rddreg [dreg:$0x1]  }
0x3: {  	s17 =	stileid.u32;
	s5 =	rddreg [dreg:$0x2]  }
0x4: {  	s14 =	rddreg [dreg:$0x3];
	s18 =	simm.s32 $0xC800;
	s19 =	simm.s32 $0x80  }
0x5: {  	s29 =	simm.s32 $0x2;
	s30 =	simm.s32 $0x11800;
	s1 =	sand.u32 $0x1, s1  }
0x6: {  	s3 =	sshll.u32 s17, $0x1;
	s20 =	sshrl.u32 s17, $0x2;
	s21 =	smul.u32 $0x1400, s17  }
0x7: {  	s10 =	smul.u32 $0xA00, s17;
	s11 =	sshrl.u32 s17, $0x3;
	s23 =	sadd.s32 $0x13600, s0  }
0x8: {  	s24 =	smul.u32 $0x5000, s17;
	s26 =	sshll.u32 s17, $0x7;
	p1 =	seq.s32 s17, $0xF  }
0x9: {  	s17 =	simm.s32 $0x1;
	s6 =	sor.u32 s1, s3;
	s4 =	smul.u32 $0x28000, s20  }
0xa: {  	s3 =	simm.s32 $0x0;
	s22 =	smul.u32 $0x50000, s11;
	s11 =	sadd.s32 $0x9600, s2  }
0xb: {  	s20 =	simm.s32 $0x400;
	s7 =	sshll.u32 s6, $0x7;
	[smem:$0x7FF] =	sst s3  }
0xc: {  	s8 =	smul.u32 $0xA00, s6;
	s25 =	sadd.s32 s2, s10;
	s31 =	sshrl.u32 s24, $0x2  }
0xd: {  	p0 =	seq.s32 s6, $0x1F;
	_ =	strace $0x80000047;
	[dreg:$0x6] =	wrdreg s23  }
0xe: {  	s7 =	sand.u32 $0x380, s7;
	[dreg:$0x8] =	wrdreg s25;
	s28 =	sshrl.u32 s22, $0x2  }
0xf: {  	s10 =	sadd.s32 s31, s14;
	s22 =	simm.s32 $0x16800;
	s25 =	simm.s32 $0xF000  }
0x10: {  	s7 =	sor.u32 s4, s7;
	s4 =	smul.u32 $0x2800, s1;
	s1 =	ssub.s32 $0x2, s1  }
0x11: {  	s8 =	sadd.s32 s0, s8;
	s13 =	sadd.s32 $0x80, s10;
	s7 =	sshrl.u32 s7, $0x3  }
0x12: {  	s9 =	sshrl.u32 s1, $0x1;
	[dreg:$0x5] =	wrdreg s8;
	s8 =	simm.s32 $0x1400  }
0x13: {  	s5 =	sadd.s32 s7, s5;
	s1 =	ssub.s32 s1, s9;
	s7 =	sadd.s32 s21, s0  }
0x14: {  	s0 =	sadd.s32 $0x12C10, s0;
	s21 =	simm.s32 $0x3;
	s9 =	simm.s32 $0x14000  }
0x15: {  	s7 =	sadd.s32 $0x10, s7;
	[dreg:$0x9] =	wrdreg s0;
	s0 =	sand.u32 $0x380, s26  }
0x16: {  	v0 =	vimm.f32 $0.0e+00;
	s15 =	sadd.s32 $0x1400, s5;
	[dreg:$0x7] =	wrdreg s7;
	s7 =	sadd.s32 s28, s14  }
0x17: {  	v1 =	vlaneseq.u32;
	v2 =	vimm.s32 $0x0;
	v3 =	vimm.f32 $1.000000000e+00;
	s16 =	smax.u32 s1, $0x1;
	s14 =	sadd.s32 $0x80, s14;
	s12 =	sadd.s32 s0, s7  }
.LBB2_1:
0x18: {  	s0 =	simm.s32 @p0 $0x80  }
0x19: {  	s1 =	simm.s32 @p0 $0x100;
	s2 =	simm.s32 @p0 $0xA000;
	s5 =	rddreg [dreg:$0x6]  }
0x1a: {  	[tilespmem:s2], [sflag:$0x2] =	stream.strided.gather @p0 [hbm4b:s5+s0], $0xA00, s1, s0, $0x38;
	[tilespmem:$0x1BD00] =	vst v63  }
0x1b: {  	s0 =	simm.s32 @!p0 $0x80  }
0x1c: {  	s1 =	simm.s32 @!p0 $0x100;
	s2 =	simm.s32 @!p0 $0xA000;
	s5 =	rddreg [dreg:$0x5]  }
0x1d: {  	[tilespmem:s2], [sflag:$0x2] =	stream.strided.gather @!p0 [hbm4b:s5+s0], $0x2800, s1, s0, $0x38;
	[tilespmem:$0x1BD00] =	vst v63  }
0x1e: {  	s0 =	simm.s32 @p1 $0x80  }
0x1f: {  	s1 =	simm.s32 @p1 $0x100;
	s2 =	simm.s32 @p1 $0x0;
	s5 =	rddreg [dreg:$0x9]  }
0x20: {  	[tilespmem:s2], [sflag:$0x1] =	stream.strided.gather @p1 [hbm4b:s5+s0], $0x3200, s1, s0, $0x38;
	[tilespmem:$0x1BD00] =	vst v63  }
0x21: {  	s0 =	simm.s32 @p1 $0x5000;
	s1 =	simm.s32 @!p1 $0x100  }
0x22: {  	[tilespmem:s0], [sflag:$0x1] =	stream.linear.gather @p1 [hbm4b:s11+s2], $0x3200, $0x38;
	[tilespmem:$0x1BD00] =	vst v63  }
0x23: {  	s5 =	rddreg [dreg:$0x7];
	s0 =	simm.s32 @!p1 $0x80;
	s2 =	simm.s32 @!p1 $0x0  }
0x24: {  	[tilespmem:s2], [sflag:$0x1] =	stream.strided.gather @!p1 [hbm4b:s5+s0], $0x5000, s1, s0, $0x38;
	[tilespmem:$0x1BD00] =	vst v63  }
0x25: {  	s0 =	simm.s32 @!p1 $0x5000;
	s1 =	rddreg [dreg:$0x8]  }
0x26: {  	[tilespmem:s0], [sflag:$0x1] =	stream.linear.gather @!p1 [hbm4b:s1+s2], $0x5000, $0x38;
	[tilespmem:$0x1BD00] =	vst v63  }
0x27: {  	s0 =	simm.s32 $0x0  }
.LBB2_2:
0x28: {  	p2 =	sne.s32 s0, $0x13F00  }
.Ltmp0:
0x29: {  	s1 =	sshra.s32 s0, $0x2;
	(pc) =	sbr.rel @p2 .LBB2_2-.Ltmp0, $4  }
0x2a: {  	[tilespmem:s1+$0xC800] =	vst v0  }
0x2b: {  	[tilespmem:s1+$0xC810] =	vst v0  }
0x2c: {  	[tilespmem:s1+$0xC820] =	vst v0  }
0x2d: {  	s0 =	sadd.s32 $0x100, s0;
	[tilespmem:s1+$0xC830] =	vst v0  }
0x2e: {  	s1 =	simm.s32 $0x100;
	s0 =	simm.s32 $0x0  }
.LBB2_4:
0x2f: {  	p2 =	sne.s32 s1, $0x13F00;
	[tilespmem:s0+$0x11830] =	vst v0;
	s2 =	smov.u32 s1;
	s1 =	sadd.s32 $0x100, s1  }
.Ltmp1:
0x30: {  	[tilespmem:s0+$0x11820] =	vst v0;
	(pc) =	sbr.rel @p2 .LBB2_4-.Ltmp1, $3  }
0x31: {  	[tilespmem:s0+$0x11800] =	vst v0  }
0x32: {  	[tilespmem:s0+$0x11810] =	vst v0;
	_ =	sdelay $0x1  }
0x33: {  	s0 =	sshra.s32 s2, $0x2  }
.Ltmp2:
0x34: {  	(pc) =	sbr.rel @!p1 .LBB2_6-.Ltmp2, $4  }
0x35: {  	[tilespmem:s0+$0x11830] =	vst v0  }
0x36: {  	[tilespmem:s0+$0x11820] =	vst v0  }
0x37: {  	[tilespmem:s0+$0x11800] =	vst v0  }
0x38: {  	[tilespmem:s0+$0x11810] =	vst v0  }
0x39: {  	_ =	swait.ge [sflag:s17], $0x3200;
	s0 =	simm.s32 $0x0  }
0x3a: {  	[sflag:s17] =	ssyncset.done $0x0;
	v4 =	vor.u32 s0, v1  }
0x3b: {  	[sflag:s17] =	ssyncadd.s32 $0xFFFFCE00;
	v5 =	vmulhi.u32 $0x88888889, v4  }
0x3c: {  	_ =	swait.ge [sflag:s17], $0x3200  }
0x3d: {  	[sflag:s17] =	ssyncset.done $0x0;
	v5 =	vshrl.u32 v5, $0x7  }
0x3e: {  	s1 =	simm.s32 $0x10;
	[sflag:s17] =	ssyncadd.s32 $0xFFFFCE00;
	v5 =	vmul.u32 $0xF0, v5  }
.LBB2_8:
0x3f: {  	p2 =	sne.s32 s1, $0x1DF0  }
.Ltmp3:
0x40: {  	s2 =	smov.u32 s1;
	v5 =	vsub.s32 v4, v5;
	v4 =	vor.u32 s1, v1;
	s1 =	sadd.s32 $0x10, s1;
	(pc) =	sbr.rel @p2 .LBB2_8-.Ltmp3, $4  }
0x41: {  	s5 =	sand.u32 $0x1FF0, s0;
	s0 =	smov.u32 s2;
	v6 =	vmulhi.u32 $0x88888889, v4;
	v5 =	vadd.s32 $0x2710, v5  }
0x42: {  	[tilespmem:s5+$0x3200] =	vst v5  }
0x43: {  	v5 =	vshrl.u32 v6, $0x7;
	[tilespmem:s5+$0x8200] =	vst v2  }
0x44: {  	v5 =	vmul.u32 $0xF0, v5  }
.Ltmp4:
0x45: {  	(pc) =	sbr.rel .LBB2_10-.Ltmp4, $4  }
0x46: {  	_ = 	snop  }
0x47: {  	s0 =	sand.u32 $0x1FF0, s0;
	v4 =	vsub.s32 v4, v5  }
0x48: {  	[tilespmem:s0+$0x8200] =	vst v2;
	v4 =	vadd.s32 $0x2710, v4  }
0x49: {  	[tilespmem:s0+$0x3200] =	vst v4  }
.LBB2_6:
0x4a: {  	_ =	swait.ge [sflag:s17], $0x5000  }
0x4b: {  	[sflag:s17] =	ssyncset.done $0x0  }
0x4c: {  	[sflag:s17] =	ssyncadd.s32 $0xFFFFB000  }
0x4d: {  	_ =	swait.ge [sflag:s17], $0x5000  }
0x4e: {  	[sflag:s17] =	ssyncset.done $0x0  }
0x4f: {  	[sflag:s17] =	ssyncadd.s32 $0xFFFFB000  }
.LBB2_10:
0x50: {  	_ =	strace $0x80000048;
	s6 =	simm.s32 $0x0  }
0x51: {  	v4 =	vld [tilespmem:s6+$0x5000];
	_ =	sdelay $0x1  }
0x52: {  	v5 =	vld [tilespmem:s6+$0x0];
	_ =	sdelay $0x2  }
0x53: {  	v4 =	vmul.u32 $0x2800, v4;
	_ =	sdelay $0x1  }
0x54: {  	v4 =	vadd.s32 v5, v4  }
0x55: {  	s0 =	simm.s32 $0x40  }
0x56: {  	v5 =	vld [tilespmem:s0+$0x5000];
	_ =	sdelay $0x1  }
0x57: {  	v6 =	vld [tilespmem:s0+$0x0]  }
0x58: {  	[tilespmem:v4+s18+$0x0] =	vst.idx.add.f32.msk $0xffff, v3  }
0x59: {  	v4 =	vld [tilespmem:s6+$0x5010]  }
0x5a: {  	v5 =	vmul.u32 $0x2800, v5  }
0x5b: {  	v7 =	vld [tilespmem:s6+$0x10]  }
0x5c: {  	v5 =	vadd.s32 v6, v5;
	_ =	sdelay $0x1  }
0x5d: {  	v4 =	vmul.u32 $0x2800, v4  }
0x5e: {  	s1 =	simm.s32 $0x80  }
0x5f: {  	v6 =	vld [tilespmem:s1+$0x5000];
	v4 =	vadd.s32 v7, v4  }
0x60: {  	[tilespmem:v5+s18+$0x0] =	vst.idx.add.f32.msk $0xffff, v3  }
0x61: {  	v5 =	vld [tilespmem:s0+$0x5010]  }
0x62: {  	v7 =	vld [tilespmem:s1+$0x0]  }
0x63: {  	v8 =	vld [tilespmem:s0+$0x10]  }
0x64: {  	[tilespmem:v4+s18+$0x0] =	vst.idx.add.f32.msk $0xffff, v3  }
0x65: {  	v4 =	vmul.u32 $0x2800, v6;
	v6 =	vld [tilespmem:s6+$0x5020]  }
0x66: {  	v5 =	vmul.u32 $0x2800, v5  }
0x67: {  	v4 =	vadd.s32 v7, v4;
	v7 =	vld [tilespmem:s6+$0x20]  }
0x68: {  	v5 =	vadd.s32 v8, v5  }
0x69: {  	s2 =	simm.s32 $0xC0  }
0x6a: {  	v8 =	vld [tilespmem:s2+$0x5000];
	v6 =	vmul.u32 $0x2800, v6  }
0x6b: {  	v9 =	vld [tilespmem:s2+$0x0]  }
0x6c: {  	[tilespmem:v4+s18+$0x0] =	vst.idx.add.f32.msk $0xffff, v3;
	v4 =	vadd.s32 v7, v6  }
0x6d: {  	[tilespmem:v5+s18+$0x0] =	vst.idx.add.f32.msk $0xffff, v3  }
0x6e: {  	v6 =	vld [tilespmem:s1+$0x5010]  }
0x6f: {  	v5 =	vmul.u32 $0x2800, v8;
	v7 =	vld [tilespmem:s1+$0x10]  }
0x70: {  	v8 =	vld [tilespmem:s0+$0x5020]  }
0x71: {  	[tilespmem:v4+s18+$0x0] =	vst.idx.add.f32.msk $0xffff, v3;
	v4 =	vadd.s32 v9, v5  }
0x72: {  	v11 =	vld [tilespmem:s0+$0x20]  }
0x73: {  	s5 =	simm.s32 $0x100;
	v6 =	vmul.u32 $0x2800, v6;
	v10 =	vld [tilespmem:s6+$0x5030]  }
0x74: {  	v5 =	vld [tilespmem:s5+$0x0]  }
0x75: {  	v12 =	vld [tilespmem:s6+$0x30];
	v6 =	vadd.s32 v7, v6  }
0x76: {  	[tilespmem:v4+s18+$0x0] =	vst.idx.add.f32.msk $0xffff, v3;
	v4 =	vmul.u32 $0x2800, v8  }
0x77: {  	v9 =	vld [tilespmem:s5+$0x5000]  }
0x78: {  	v7 =	vld [tilespmem:s2+$0x10];
	v13 =	vmul.u32 $0x2800, v10;
	v8 =	vadd.s32 v11, v4  }
0x79: {  	v10 =	vld [tilespmem:s2+$0x5010]  }
0x7a: {  	[tilespmem:v6+s18+$0x0] =	vst.idx.add.f32.msk $0xffff, v3;
	v4 =	vadd.s32 v12, v13  }
0x7b: {  	s6 =	simm.s32 $0x500;
	v6 =	vld [tilespmem:s1+$0x20]  }
.LBB2_11:
0x7c: {  	p2 =	sne.s32 s6, $0x13F00;
	v9 =	vmul.u32 $0x2800, v9;
	v11 =	vld [tilespmem:s1+$0x5020]  }
0x7d: {  	[tilespmem:v8+s18+$0x0] =	vst.idx.add.f32.msk $0xffff, v3  }
0x7e: {  	v8 =	vadd.s32 v5, v9;
	v12 =	vld [tilespmem:s0+$0x5030]  }
0x7f: {  	s7 =	sshra.s32 s6, $0x2;
	v9 =	vmul.u32 $0x2800, v10;
	[tilespmem:v4+s18+$0x0] =	vst.idx.add.f32.msk $0xffff, v3  }
0x80: {  	v5 =	vld [tilespmem:s7+$0x0]  }
0x81: {  	v4 =	vadd.s32 v7, v9;
	v13 =	vld [tilespmem:s0+$0x30];
	s0 =	smov.u32 s1;
	s1 =	smov.u32 s2;
	s2 =	smov.u32 s5  }
0x82: {  	v10 =	vmul.u32 $0x2800, v11;
	s5 =	smov.u32 s7;
	v9 =	vld [tilespmem:s7+$0x5000]  }
.Ltmp5:
0x83: {  	[tilespmem:v8+s18+$0x0] =	vst.idx.add.f32.msk $0xffff, v3;
	(pc) =	sbr.rel @p2 .LBB2_11-.Ltmp5, $4  }
0x84: {  	v8 =	vadd.s32 v6, v10;
	v6 =	vmul.u32 $0x2800, v12;
	v7 =	vld [tilespmem:s2+$0x10]  }
0x85: {  	v10 =	vld [tilespmem:s2+$0x5010]  }
0x86: {  	[tilespmem:v4+s18+$0x0] =	vst.idx.add.f32.msk $0xffff, v3;
	v4 =	vadd.s32 v13, v6  }
0x87: {  	s6 =	sadd.s32 $0x100, s6;
	v6 =	vld [tilespmem:s1+$0x20]  }
0x88: {  	v9 =	vmul.u32 $0x2800, v9;
	_ =	sdelay $0x1  }
0x89: {  	v5 =	vadd.s32 v5, v9;
	_ =	sdelay $0x4  }
0x8a: {  	[tilespmem:v5+s18+$0x0] =	vst.idx.add.f32.msk $0xffff, v3  }
0x8b: {  	v5 =	vld [tilespmem:s5+$0x5010]  }
0x8c: {  	v9 =	vmul.u32 $0x2800, v10  }
0x8d: {  	v10 =	vld [tilespmem:s5+$0x10]  }
0x8e: {  	v7 =	vadd.s32 v7, v9;
	_ =	sdelay $0x1  }
0x8f: {  	v5 =	vmul.u32 $0x2800, v5;
	_ =	sdelay $0x1  }
0x90: {  	v9 =	vld [tilespmem:s1+$0x5020];
	v5 =	vadd.s32 v10, v5  }
0x91: {  	[tilespmem:v7+s18+$0x0] =	vst.idx.add.f32.msk $0xffff, v3  }
0x92: {  	v10 =	vld [tilespmem:s2+$0x5020];
	_ =	sdelay $0x1  }
0x93: {  	v7 =	vld [tilespmem:s2+$0x20]  }
0x94: {  	[tilespmem:v5+s18+$0x0] =	vst.idx.add.f32.msk $0xffff, v3  }
0x95: {  	v5 =	vmul.u32 $0x2800, v9;
	v9 =	vld [tilespmem:s5+$0x5020]  }
0x96: {  	v10 =	vmul.u32 $0x2800, v10  }
0x97: {  	v5 =	vadd.s32 v6, v5;
	v6 =	vld [tilespmem:s5+$0x20]  }
0x98: {  	v7 =	vadd.s32 v7, v10  }
0x99: {  	[tilespmem:v8+s18+$0x0] =	vst.idx.add.f32.msk $0xffff, v3  }
0x9a: {  	v8 =	vld [tilespmem:s0+$0x5030];
	v9 =	vmul.u32 $0x2800, v9  }
0x9b: {  	v10 =	vld [tilespmem:s0+$0x30]  }
0x9c: {  	[tilespmem:v5+s18+$0x0] =	vst.idx.add.f32.msk $0xffff, v3;
	v5 =	vadd.s32 v6, v9  }
0x9d: {  	[tilespmem:v7+s18+$0x0] =	vst.idx.add.f32.msk $0xffff, v3  }
0x9e: {  	v6 =	vld [tilespmem:s1+$0x5030]  }
0x9f: {  	v9 =	vld [tilespmem:s1+$0x30]  }
0xa0: {  	v7 =	vld [tilespmem:s2+$0x5030]  }
0xa1: {  	[tilespmem:v5+s18+$0x0] =	vst.idx.add.f32.msk $0xffff, v3  }
0xa2: {  	v5 =	vld [tilespmem:s5+$0x5030]  }
0xa3: {  	v11 =	vld [tilespmem:s2+$0x30]  }
0xa4: {  	v8 =	vmul.u32 $0x2800, v8;
	v12 =	vld [tilespmem:s5+$0x30]  }
0xa5: {  	v6 =	vmul.u32 $0x2800, v6  }
0xa6: {  	v8 =	vadd.s32 v10, v8;
	v7 =	vmul.u32 $0x2800, v7  }
0xa7: {  	v6 =	vadd.s32 v9, v6;
	v5 =	vmul.u32 $0x2800, v5  }
0xa8: {  	v7 =	vadd.s32 v11, v7  }
0xa9: {  	v5 =	vadd.s32 v12, v5  }
0xaa: {  	[tilespmem:v4+s18+$0x0] =	vst.idx.add.f32.msk $0xffff, v3  }
0xab: {  	[tilespmem:v8+s18+$0x0] =	vst.idx.add.f32.msk $0xffff, v3  }
0xac: {  	[tilespmem:v6+s18+$0x0] =	vst.idx.add.f32.msk $0xffff, v3  }
0xad: {  	[tilespmem:v7+s18+$0x0] =	vst.idx.add.f32.msk $0xffff, v3  }
0xae: {  	[tilespmem:v5+s18+$0x0] =	vst.idx.add.f32.msk $0xffff, v3  }
0xaf: {  	_ =	strace $0x90000048  }
0xb0: {  	_ =	strace $0x80000049  }
0xb1: {  	[spmem:s12] =	stream.strided.scatter [tilespmem:s18], [sflag:$0x3], $0x2800, s20, s19, $0x200038;
	[tilespmem:$0x1BD00] =	vst v63  }
0xb2: {  	_ =	swait.ge [sflag:s21], $0x2800  }
0xb3: {  	[sflag:s21] =	ssyncset.done $0x0  }
0xb4: {  	[sflag:s21] =	ssyncadd.s32 $0xFFFFD800  }
0xb5: {  	[bflag:$0x0] =	sbarrier.arrive $0xFFFF  }
0xb6: {  	[tilespmem:s22], [sflag:$0x3] =	stream.strided.gather [spmem:s10], $0x2800, s9, s8, $0x200038;
	[tilespmem:$0x1BD00] =	vst v63  }
0xb7: {  	s6 =	simm.s32 $0x0;
	_ =	swait.ge [sflag:s21], $0x2800  }
0xb8: {  	s7 =	sand.u32 $0x70, s6;
	s0 =	sand.u32 $0x1C00, s6;
	[sflag:s21] =	ssyncset.done $0x0  }
0xb9: {  	s0 =	sor.u32 s7, s0;
	[sflag:s21] =	ssyncadd.s32 $0xFFFFD800  }
0xba: {  	s1 =	sadd.s32 $0x16800, s0;
	v4 =	vld [tilespmem:s0+$0x16800]  }
0xbb: {  	v5 =	vld [tilespmem:s1+$0x80];
	_ =	sdelay $0x1  }
0xbc: {  	v6 =	vld [tilespmem:s1+$0x100];
	_ =	sdelay $0x1  }
0xbd: {  	v7 =	vld [tilespmem:s1+$0x180]  }
0xbe: {  	v4 =	vadd.f32 v5, v4  }
0xbf: {  	v5 =	vld [tilespmem:s1+$0x200]  }
0xc0: {  	v4 =	vadd.f32 v6, v4  }
0xc1: {  	v6 =	vld [tilespmem:s1+$0x280]  }
0xc2: {  	v4 =	vadd.f32 v7, v4  }
0xc3: {  	v7 =	vld [tilespmem:s1+$0x300]  }
0xc4: {  	v4 =	vadd.f32 v5, v4  }
0xc5: {  	s23 =	simm.s32 $0x10;
	s24 =	simm.s32 $0x80;
	v5 =	vld [tilespmem:s1+$0x380]  }
0xc6: {  	s2 =	sand.u32 $0x70, s23;
	v8 =	vld [tilespmem:s0+$0x17C00];
	s1 =	sand.u32 $0x1C00, s24;
	v4 =	vadd.f32 v6, v4  }
0xc7: {  	s1 =	sor.u32 s2, s1;
	v6 =	vld [tilespmem:s0+$0x17C80]  }
0xc8: {  	s2 =	sadd.s32 $0x16800, s1;
	v9 =	vld [tilespmem:s1+$0x16800];
	v4 =	vadd.f32 v7, v4  }
0xc9: {  	v7 =	vld [tilespmem:s2+$0x80]  }
0xca: {  	v10 =	vld [tilespmem:s2+$0x100];
	v4 =	vadd.f32 v5, v4  }
0xcb: {  	v5 =	vld [tilespmem:s0+$0x17D00]  }
0xcc: {  	v11 =	vld [tilespmem:s2+$0x180];
	v4 =	vadd.f32 v8, v4  }
0xcd: {  	v8 =	vld [tilespmem:s0+$0x17D80]  }
0xce: {  	v7 =	vadd.f32 v7, v9;
	v9 =	vld [tilespmem:s2+$0x200];
	v4 =	vadd.f32 v6, v4  }
0xcf: {  	v6 =	vld [tilespmem:s0+$0x17E00]  }
0xd0: {  	v7 =	vadd.f32 v10, v7;
	v10 =	vld [tilespmem:s2+$0x280];
	v4 =	vadd.f32 v5, v4  }
0xd1: {  	v5 =	vld [tilespmem:s0+$0x17E80]  }
0xd2: {  	v7 =	vadd.f32 v11, v7;
	v11 =	vld [tilespmem:s2+$0x300];
	v4 =	vadd.f32 v8, v4  }
0xd3: {  	v8 =	vld [tilespmem:s0+$0x17F00]  }
0xd4: {  	v7 =	vadd.f32 v9, v7;
	v9 =	vld [tilespmem:s2+$0x380];
	v4 =	vadd.f32 v6, v4  }
0xd5: {  	s26 =	simm.s32 $0x20;
	s28 =	simm.s32 $0x100;
	v6 =	vld [tilespmem:s0+$0x17F80]  }
0xd6: {  	s2 =	sand.u32 $0x1C00, s28;
	s0 =	sand.u32 $0x70, s26;
	v7 =	vadd.f32 v10, v7;
	v10 =	vld [tilespmem:s1+$0x17C80];
	v4 =	vadd.f32 v5, v4  }
0xd7: {  	s0 =	sor.u32 s0, s2;
	v5 =	vld [tilespmem:s1+$0x17C00]  }
0xd8: {  	s2 =	sadd.s32 $0x16800, s0;
	v62 =	vld [tilespmem:s0+$0x16800];
	v7 =	vadd.f32 v11, v7;
	v4 =	vadd.f32 v8, v4  }
0xd9: {  	v8 =	vld [tilespmem:s2+$0x80]  }
0xda: {  	v7 =	vadd.f32 v9, v7;
	v9 =	vld [tilespmem:s1+$0x17D00];
	v4 =	vadd.f32 v6, v4  }
0xdb: {  	v6 =	vld [tilespmem:s2+$0x100]  }
0xdc: {  	v11 =	vld [tilespmem:s2+$0x180];
	v5 =	vadd.f32 v5, v7;
	v4 =	vmax.f32 v4, $1.000000000e+00  }
0xdd: {  	v7 =	vld [tilespmem:s1+$0x17D80];
	(erf) = vrcp.f32 v4  }
0xde: {  	v4 =	vadd.f32 v8, v62;
	v5 =	vadd.f32 v10, v5;
	v8 =	vld [tilespmem:s1+$0x17E00]  }
0xdf: {  	v10 =	vld [tilespmem:s2+$0x200]  }
0xe0: {  	v63 =	vld [tilespmem:s2+$0x280];
	v4 =	vadd.f32 v6, v4;
	v5 =	vadd.f32 v9, v5  }
0xe1: {  	v6 =	vld [tilespmem:s1+$0x17E80]  }
0xe2: {  	v9 =	vld [tilespmem:s2+$0x300];
	v11 =	vadd.f32 v11, v4;
	v5 =	vadd.f32 v7, v5  }
0xe3: {  	v4 =	vld [tilespmem:s1+$0x17F00]  }
0xe4: {  	s31 =	simm.s32 $0x30;
	v7 =	vadd.f32 v10, v11;
	v8 =	vadd.f32 v8, v5;
	v5 =	vld [tilespmem:s1+$0x17F80]  }
0xe5: {  	s6 =	sand.u32 $0x70, s31;
	v10 =	vld [tilespmem:s2+$0x380];
	s2 =	simm.s32 $0x180  }
0xe6: {  	s5 =	simm.s32 $0x40;
	s1 =	simm.s32 $0x19000;
	s7 =	sand.u32 $0x1C00, s2;
	v11 =	vadd.f32 v63, v7;
	v7 =	vld [tilespmem:s0+$0x17C80];
	v8 =	vadd.f32 v6, v8;
	v6 =	vpop (erf)  }
.LBB2_13:
0xe7: {  	p2 =	sne.s32 s5, $0x270;
	s6 =	sor.u32 s6, s7;
	v12 =	vld [tilespmem:s0+$0x17C00];
	[tilespmem:s1+$0x0] =	vst v6  }
0xe8: {  	s7 =	sadd.s32 $0x16800, s6;
	v6 =	vld [tilespmem:s6+$0x16800];
	v9 =	vadd.f32 v9, v11;
	v4 =	vadd.f32 v4, v8  }
0xe9: {  	v8 =	vld [tilespmem:s7+$0x80]  }
0xea: {  	v9 =	vadd.f32 v10, v9;
	v10 =	vld [tilespmem:s0+$0x17D00];
	v4 =	vadd.f32 v5, v4  }
0xeb: {  	v5 =	vld [tilespmem:s7+$0x100]  }
0xec: {  	v9 =	vadd.f32 v12, v9;
	v11 =	vld [tilespmem:s0+$0x17D80];
	v4 =	vmax.f32 v4, $1.000000000e+00  }
0xed: {  	v12 =	vld [tilespmem:s7+$0x180];
	(erf) = vrcp.f32 v4  }
0xee: {  	v4 =	vadd.f32 v8, v6;
	v6 =	vadd.f32 v7, v9;
	v7 =	vld [tilespmem:s0+$0x17E00]  }
0xef: {  	v8 =	vld [tilespmem:s7+$0x200]  }
0xf0: {  	v4 =	vadd.f32 v5, v4;
	v5 =	vadd.f32 v10, v6;
	v6 =	vld [tilespmem:s0+$0x17E80]  }
0xf1: {  	v13 =	vld [tilespmem:s7+$0x280]  }
.Ltmp6:
0xf2: {  	v10 =	vadd.f32 v12, v4;
	v5 =	vadd.f32 v11, v5;
	v4 =	vld [tilespmem:s0+$0x17F00];
	(pc) =	sbr.rel @p2 .LBB2_13-.Ltmp6, $4  }
0xf3: {  	v9 =	vld [tilespmem:s7+$0x300]  }
0xf4: {  	v8 =	vadd.f32 v8, v10;
	v12 =	vadd.f32 v7, v5;
	v5 =	vld [tilespmem:s0+$0x17F80];
	s0 =	smov.u32 s6  }
0xf5: {  	s2 =	sadd.s32 $0x80, s2;
	s1 =	sadd.s32 $0x10, s1;
	v10 =	vld [tilespmem:s7+$0x380]  }
0xf6: {  	s6 =	sand.u32 $0x70, s5;
	s5 =	sadd.s32 $0x10, s5;
	s7 =	sand.u32 $0x1C00, s2;
	v11 =	vadd.f32 v13, v8;
	v7 =	vld [tilespmem:s0+$0x17C80];
	v8 =	vadd.f32 v6, v12;
	v6 =	vpop (erf)  }
0xf7: {  	s2 =	sor.u32 s6, s7  }
0xf8: {  	s5 =	sadd.s32 $0x16800, s2;
	v12 =	vld [tilespmem:s2+$0x16800]  }
0xf9: {  	v13 =	vld [tilespmem:s5+$0x80];
	_ =	sdelay $0x1  }
0xfa: {  	v14 =	vld [tilespmem:s5+$0x100];
	_ =	sdelay $0x1  }
0xfb: {  	v15 =	vld [tilespmem:s5+$0x180]  }
0xfc: {  	v12 =	vadd.f32 v13, v12  }
0xfd: {  	v49 =	vld [tilespmem:s5+$0x200]  }
0xfe: {  	v12 =	vadd.f32 v14, v12  }
0xff: {  	v50 =	vld [tilespmem:s5+$0x280]  }
0x100: {  	v12 =	vadd.f32 v15, v12  }
0x101: {  	v51 =	vld [tilespmem:s5+$0x300]  }
0x102: {  	v12 =	vadd.f32 v49, v12  }
0x103: {  	v52 =	vld [tilespmem:s5+$0x380]  }
0x104: {  	v53 =	vld [tilespmem:s0+$0x17C00];
	v12 =	vadd.f32 v50, v12  }
0x105: {  	v9 =	vadd.f32 v9, v11;
	v11 =	vld [tilespmem:s2+$0x17C00]  }
0x106: {  	v12 =	vadd.f32 v51, v12  }
0x107: {  	v9 =	vadd.f32 v10, v9;
	v10 =	vld [tilespmem:s2+$0x17C80]  }
0x108: {  	v54 =	vld [tilespmem:s0+$0x17D00];
	v12 =	vadd.f32 v52, v12  }
0x109: {  	v55 =	vld [tilespmem:s2+$0x17D00];
	v9 =	vadd.f32 v53, v9  }
0x10a: {  	v56 =	vld [tilespmem:s0+$0x17D80];
	v11 =	vadd.f32 v11, v12  }
0x10b: {  	v7 =	vadd.f32 v7, v9;
	v9 =	vld [tilespmem:s2+$0x17D80]  }
0x10c: {  	v10 =	vadd.f32 v10, v11;
	v11 =	vld [tilespmem:s0+$0x17E00]  }
0x10d: {  	v57 =	vld [tilespmem:s2+$0x17E00];
	v7 =	vadd.f32 v54, v7  }
0x10e: {  	v58 =	vld [tilespmem:s0+$0x17E80];
	v10 =	vadd.f32 v55, v10  }
0x10f: {  	v59 =	vld [tilespmem:s2+$0x17E80];
	v7 =	vadd.f32 v56, v7  }
0x110: {  	v9 =	vadd.f32 v9, v10;
	v10 =	vld [tilespmem:s0+$0x17F00]  }
0x111: {  	v7 =	vadd.f32 v11, v7;
	v11 =	vld [tilespmem:s2+$0x17F00]  }
0x112: {  	v60 =	vld [tilespmem:s0+$0x17F80];
	v9 =	vadd.f32 v57, v9  }
0x113: {  	v61 =	vld [tilespmem:s2+$0x17F80];
	v7 =	vadd.f32 v58, v7  }
0x114: {  	v4 =	vadd.f32 v4, v8;
	v8 =	vadd.f32 v59, v9  }
0x115: {  	v7 =	vadd.f32 v10, v7  }
0x116: {  	v4 =	vadd.f32 v5, v4;
	v5 =	vadd.f32 v11, v8  }
0x117: {  	v7 =	vadd.f32 v60, v7  }
0x118: {  	v4 =	vmax.f32 v4, $1.000000000e+00;
	v5 =	vadd.f32 v61, v5  }
0x119: {  	(erf) = vrcp.f32 v4;
	v4 =	vmax.f32 v7, $1.000000000e+00  }
0x11a: {  	(erf) = vrcp.f32 v4;
	v4 =	vmax.f32 v5, $1.000000000e+00  }
0x11b: {  	(erf) = vrcp.f32 v4;
	_ =	sdelay $0x6  }
0x11c: {  	[tilespmem:s1+$0x0] =	vst v6;
	s2 =	sadd.s32 $0x10, s1;
	v4 =	vpop (erf)  }
0x11d: {  	s0 =	sadd.s32 $0x10, s2;
	[tilespmem:s2+$0x0] =	vst v4;
	v5 =	vpop (erf)  }
0x11e: {  	[tilespmem:s0+$0x0] =	vst v5;
	s0 =	sadd.s32 $0x10, s0;
	v4 =	vpop (erf)  }
0x11f: {  	[tilespmem:s0+$0x0] =	vst v4  }
0x120: {  	[bflag:$0x0] =	sbarrier.arrive $0xFFFF  }
0x121: {  	[spmem:s12] =	stream.strided.scatter [tilespmem:s25], [sflag:$0x3], $0x2800, s20, s19, $0x200038;
	[tilespmem:$0x1BD00] =	vst v63  }
0x122: {  	_ =	swait.ge [sflag:s21], $0x2800  }
0x123: {  	[sflag:s21] =	ssyncset.done $0x0  }
0x124: {  	[sflag:s21] =	ssyncadd.s32 $0xFFFFD800  }
0x125: {  	[bflag:$0x0] =	sbarrier.arrive $0xFFFF  }
0x126: {  	[tilespmem:s22], [sflag:$0x3] =	stream.strided.gather [spmem:s10], $0x2800, s9, s8, $0x200038;
	[tilespmem:$0x1BD00] =	vst v63  }
0x127: {  	s6 =	simm.s32 $0x0;
	_ =	swait.ge [sflag:s21], $0x2800  }
0x128: {  	s7 =	sand.u32 $0x1C00, s6;
	s5 =	sand.u32 $0x70, s6;
	[sflag:s21] =	ssyncset.done $0x0  }
0x129: {  	s0 =	sor.u32 s5, s7;
	[sflag:s21] =	ssyncadd.s32 $0xFFFFD800  }
0x12a: {  	s1 =	sadd.s32 $0x16800, s0;
	v4 =	vld [tilespmem:s0+$0x16800]  }
0x12b: {  	v5 =	vld [tilespmem:s1+$0x80];
	_ =	sdelay $0x1  }
0x12c: {  	v6 =	vld [tilespmem:s1+$0x100];
	_ =	sdelay $0x1  }
0x12d: {  	v7 =	vld [tilespmem:s1+$0x180]  }
0x12e: {  	v4 =	vadd.f32 v5, v4  }
0x12f: {  	v5 =	vld [tilespmem:s1+$0x200]  }
0x130: {  	v4 =	vadd.f32 v6, v4  }
0x131: {  	v6 =	vld [tilespmem:s1+$0x280]  }
0x132: {  	v4 =	vadd.f32 v7, v4  }
0x133: {  	s8 =	sor.u32 s6, s6;
	v7 =	vld [tilespmem:s1+$0x300]  }
0x134: {  	s22 =	simm.s32 $0x80;
	s9 =	sor.u32 $0x380, s8;
	s1 =	simm.s32 $0x10;
	v4 =	vadd.f32 v5, v4  }
0x135: {  	s24 =	sand.u32 $0x1C00, s22;
	s23 =	sand.u32 $0x70, s1;
	v5 =	vld [tilespmem:s9+$0x16800]  }
0x136: {  	v8 =	vld [tilespmem:s0+$0x17C00];
	s5 =	sor.u32 s23, s24;
	v4 =	vadd.f32 v6, v4  }
0x137: {  	v9 =	vld [tilespmem:s5+$0x16800]  }
0x138: {  	s7 =	sadd.s32 $0x16800, s5;
	v6 =	vld [tilespmem:s0+$0x17C80];
	v4 =	vadd.f32 v7, v4  }
0x139: {  	v7 =	vld [tilespmem:s7+$0x80]  }
0x13a: {  	v10 =	vld [tilespmem:s7+$0x100];
	v4 =	vadd.f32 v5, v4  }
0x13b: {  	v5 =	vld [tilespmem:s0+$0x17D00]  }
0x13c: {  	v11 =	vld [tilespmem:s7+$0x180];
	v4 =	vadd.f32 v8, v4  }
0x13d: {  	v8 =	vld [tilespmem:s0+$0x17D80]  }
0x13e: {  	v7 =	vadd.f32 v7, v9;
	v9 =	vld [tilespmem:s7+$0x200];
	v4 =	vadd.f32 v6, v4  }
0x13f: {  	v6 =	vld [tilespmem:s0+$0x17E00]  }
0x140: {  	v7 =	vadd.f32 v10, v7;
	v10 =	vld [tilespmem:s7+$0x280];
	v4 =	vadd.f32 v5, v4  }
0x141: {  	v5 =	vld [tilespmem:s0+$0x17E80]  }
0x142: {  	s2 =	sor.u32 s22, s1;
	v7 =	vadd.f32 v11, v7;
	v11 =	vld [tilespmem:s7+$0x300];
	v4 =	vadd.f32 v8, v4  }
0x143: {  	s2 =	sor.u32 $0x380, s2;
	v8 =	vld [tilespmem:s0+$0x17F00]  }
0x144: {  	v7 =	vadd.f32 v9, v7;
	v9 =	vld [tilespmem:s2+$0x16800];
	v4 =	vadd.f32 v6, v4  }
0x145: {  	s26 =	simm.s32 $0x100;
	v6 =	vld [tilespmem:s0+$0x17F80];
	s0 =	simm.s32 $0x20  }
0x146: {  	s31 =	sand.u32 $0x1C00, s26;
	s28 =	sand.u32 $0x70, s0;
	v7 =	vadd.f32 v10, v7;
	v10 =	vld [tilespmem:s5+$0x17C80];
	v4 =	vadd.f32 v5, v4  }
0x147: {  	s2 =	sor.u32 s28, s31;
	v5 =	vld [tilespmem:s5+$0x17C00]  }
0x148: {  	s8 =	sadd.s32 $0x16800, s2;
	v62 =	vld [tilespmem:s2+$0x16800];
	v7 =	vadd.f32 v11, v7;
	v4 =	vadd.f32 v8, v4  }
0x149: {  	v8 =	vld [tilespmem:s8+$0x80]  }
0x14a: {  	v7 =	vadd.f32 v9, v7;
	v9 =	vld [tilespmem:s5+$0x17D00];
	v4 =	vadd.f32 v6, v4  }
0x14b: {  	v6 =	vld [tilespmem:s8+$0x100]  }
0x14c: {  	v11 =	vld [tilespmem:s8+$0x180];
	v5 =	vadd.f32 v5, v7;
	v4 =	vmax.f32 v4, $1.000000000e+00  }
0x14d: {  	v7 =	vld [tilespmem:s5+$0x17D80];
	(erf) = vrcp.f32 v4  }
0x14e: {  	v4 =	vadd.f32 v8, v62;
	v5 =	vadd.f32 v10, v5;
	v8 =	vld [tilespmem:s5+$0x17E00]  }
0x14f: {  	v10 =	vld [tilespmem:s8+$0x200]  }
0x150: {  	v4 =	vadd.f32 v6, v4;
	v5 =	vadd.f32 v9, v5;
	v6 =	vld [tilespmem:s5+$0x17E80]  }
0x151: {  	v9 =	vld [tilespmem:s8+$0x280]  }
0x152: {  	v11 =	vadd.f32 v11, v4;
	v5 =	vadd.f32 v7, v5;
	v4 =	vld [tilespmem:s5+$0x17F00]  }
0x153: {  	s7 =	sor.u32 s26, s0;
	v7 =	vld [tilespmem:s8+$0x300]  }
0x154: {  	s7 =	sor.u32 $0x380, s7;
	v11 =	vadd.f32 v10, v11;
	v63 =	vadd.f32 v8, v5;
	v5 =	vld [tilespmem:s5+$0x17F80]  }
0x155: {  	s6 =	sand.u32 $0x3F0, s6;
	s5 =	simm.s32 $0x30;
	v10 =	vld [tilespmem:s7+$0x16800];
	s7 =	simm.s32 $0x180  }
0x156: {  	s8 =	simm.s32 $0x40;
	v8 =	vld [tilespmem:s2+$0x17C80];
	s9 =	sand.u32 $0x70, s5;
	s22 =	sand.u32 $0x1C00, s7;
	v11 =	vadd.f32 v9, v11;
	v9 =	vadd.f32 v6, v63;
	v6 =	vpop (erf)  }
.LBB2_15:
0x157: {  	p2 =	sne.s32 s8, $0x270;
	s9 =	sor.u32 s9, s22;
	v12 =	vld [tilespmem:s2+$0x17C00];
	[tilespmem:s6+$0x19280] =	vst v6;
	s22 =	smov.u32 s0  }
0x158: {  	s0 =	smov.u32 s5;
	s5 =	smov.u32 s8;
	s6 =	sadd.s32 $0x16800, s9;
	v6 =	vld [tilespmem:s9+$0x16800];
	v7 =	vadd.f32 v7, v11;
	v4 =	vadd.f32 v4, v9  }
0x159: {  	v9 =	vld [tilespmem:s6+$0x80]  }
0x15a: {  	v7 =	vadd.f32 v10, v7;
	v10 =	vld [tilespmem:s2+$0x17D00];
	v4 =	vadd.f32 v5, v4  }
0x15b: {  	v5 =	vld [tilespmem:s6+$0x100]  }
0x15c: {  	v7 =	vadd.f32 v12, v7;
	v11 =	vld [tilespmem:s2+$0x17D80];
	v4 =	vmax.f32 v4, $1.000000000e+00  }
0x15d: {  	v12 =	vld [tilespmem:s6+$0x180];
	(erf) = vrcp.f32 v4  }
0x15e: {  	v4 =	vadd.f32 v9, v6;
	v6 =	vadd.f32 v8, v7;
	v8 =	vld [tilespmem:s2+$0x17E00]  }
0x15f: {  	v9 =	vld [tilespmem:s6+$0x200]  }
0x160: {  	v4 =	vadd.f32 v5, v4;
	v5 =	vadd.f32 v10, v6;
	v6 =	vld [tilespmem:s2+$0x17E80]  }
0x161: {  	v13 =	vld [tilespmem:s6+$0x280]  }
.Ltmp7:
0x162: {  	v10 =	vadd.f32 v12, v4;
	v5 =	vadd.f32 v11, v5;
	v4 =	vld [tilespmem:s2+$0x17F00];
	(pc) =	sbr.rel @p2 .LBB2_15-.Ltmp7, $4  }
0x163: {  	v7 =	vld [tilespmem:s6+$0x300];
	s6 =	sor.u32 s7, s0  }
0x164: {  	v9 =	vadd.f32 v9, v10;
	s6 =	sor.u32 $0x380, s6;
	v12 =	vadd.f32 v8, v5;
	v5 =	vld [tilespmem:s2+$0x17F80];
	s2 =	smov.u32 s9  }
0x165: {  	s7 =	sadd.s32 $0x80, s7;
	v10 =	vld [tilespmem:s6+$0x16800];
	s6 =	sand.u32 $0x3F0, s1;
	s1 =	smov.u32 s22  }
0x166: {  	s8 =	sadd.s32 $0x10, s8;
	s9 =	sand.u32 $0x70, s5;
	s22 =	sand.u32 $0x1C00, s7;
	v11 =	vadd.f32 v13, v9;
	v8 =	vld [tilespmem:s2+$0x17C80];
	v9 =	vadd.f32 v6, v12;
	v6 =	vpop (erf)  }
0x167: {  	s8 =	sor.u32 s9, s22  }
0x168: {  	s9 =	sadd.s32 $0x16800, s8;
	v12 =	vld [tilespmem:s8+$0x16800]  }
0x169: {  	v13 =	vld [tilespmem:s9+$0x80];
	_ =	sdelay $0x1  }
0x16a: {  	v14 =	vld [tilespmem:s9+$0x100];
	_ =	sdelay $0x1  }
0x16b: {  	v15 =	vld [tilespmem:s9+$0x180]  }
0x16c: {  	v12 =	vadd.f32 v13, v12  }
0x16d: {  	v45 =	vld [tilespmem:s9+$0x200]  }
0x16e: {  	v12 =	vadd.f32 v14, v12  }
0x16f: {  	v46 =	vld [tilespmem:s9+$0x280]  }
0x170: {  	v12 =	vadd.f32 v15, v12  }
0x171: {  	s7 =	sor.u32 s7, s5;
	v47 =	vld [tilespmem:s9+$0x300]  }
0x172: {  	s7 =	sor.u32 $0x380, s7;
	v12 =	vadd.f32 v45, v12  }
0x173: {  	v48 =	vld [tilespmem:s7+$0x16800]  }
0x174: {  	v49 =	vld [tilespmem:s2+$0x17C00];
	v12 =	vadd.f32 v46, v12  }
0x175: {  	v7 =	vadd.f32 v7, v11;
	v50 =	vld [tilespmem:s8+$0x17C00]  }
0x176: {  	v12 =	vadd.f32 v47, v12  }
0x177: {  	v51 =	vld [tilespmem:s8+$0x17C80];
	v7 =	vadd.f32 v10, v7  }
0x178: {  	v52 =	vld [tilespmem:s2+$0x17D00];
	v12 =	vadd.f32 v48, v12  }
0x179: {  	v53 =	vld [tilespmem:s8+$0x17D00];
	v7 =	vadd.f32 v49, v7  }
0x17a: {  	v54 =	vld [tilespmem:s2+$0x17D80];
	v11 =	vadd.f32 v50, v12  }
0x17b: {  	v55 =	vld [tilespmem:s8+$0x17D80];
	v7 =	vadd.f32 v8, v7  }
0x17c: {  	v56 =	vld [tilespmem:s2+$0x17E00];
	v10 =	vadd.f32 v51, v11  }
0x17d: {  	v57 =	vld [tilespmem:s8+$0x17E00];
	v7 =	vadd.f32 v52, v7  }
0x17e: {  	v58 =	vld [tilespmem:s2+$0x17E80];
	v10 =	vadd.f32 v53, v10  }
0x17f: {  	v59 =	vld [tilespmem:s8+$0x17E80];
	v7 =	vadd.f32 v54, v7  }
0x180: {  	v60 =	vld [tilespmem:s2+$0x17F00];
	v8 =	vadd.f32 v55, v10  }
0x181: {  	v61 =	vld [tilespmem:s8+$0x17F00];
	v7 =	vadd.f32 v56, v7  }
0x182: {  	v62 =	vld [tilespmem:s2+$0x17F80];
	v8 =	vadd.f32 v57, v8  }
0x183: {  	v63 =	vld [tilespmem:s8+$0x17F80];
	v7 =	vadd.f32 v58, v7  }
0x184: {  	v4 =	vadd.f32 v4, v9;
	v8 =	vadd.f32 v59, v8  }
0x185: {  	v7 =	vadd.f32 v60, v7  }
0x186: {  	v4 =	vadd.f32 v5, v4;
	v5 =	vadd.f32 v61, v8  }
0x187: {  	v7 =	vadd.f32 v62, v7  }
0x188: {  	v4 =	vmax.f32 v4, $1.000000000e+00;
	v5 =	vadd.f32 v63, v5  }
0x189: {  	(erf) = vrcp.f32 v4;
	v4 =	vmax.f32 v7, $1.000000000e+00  }
0x18a: {  	(erf) = vrcp.f32 v4;
	v4 =	vmax.f32 v5, $1.000000000e+00  }
0x18b: {  	(erf) = vrcp.f32 v4;
	_ =	sdelay $0x6  }
0x18c: {  	[tilespmem:s6+$0x19280] =	vst v6;
	s1 =	sand.u32 $0x3F0, s1;
	v4 =	vpop (erf)  }
0x18d: {  	s0 =	sand.u32 $0x3F0, s0;
	v5 =	vpop (erf);
	[tilespmem:s1+$0x19280] =	vst v4  }
0x18e: {  	s24 =	sand.u32 $0x3F0, s5;
	[tilespmem:s0+$0x19280] =	vst v5;
	v4 =	vpop (erf)  }
0x18f: {  	[tilespmem:s24+$0x19280] =	vst v4  }
0x190: {  	s26 =	simm.s32 $0x19000;
	[bflag:$0x0] =	sbarrier.arrive $0xFFFF  }
0x191: {  	[spmem:s10] =	stream.strided.scatter [tilespmem:s26], [sflag:$0x3], $0x280, s20, s19, $0x200038;
	[tilespmem:$0x1BD00] =	vst v63  }
0x192: {  	_ =	swait.ge [sflag:s21], $0x280  }
0x193: {  	[sflag:s21] =	ssyncset.done $0x0  }
0x194: {  	s28 =	simm.s32 $0x19280;
	[sflag:s21] =	ssyncadd.s32 $0xFFFFFD80  }
0x195: {  	[spmem:s13] =	stream.strided.scatter [tilespmem:s28], [sflag:$0x3], $0x280, s20, s19, $0x200038;
	[tilespmem:$0x1BD00] =	vst v63  }
0x196: {  	_ =	swait.ge [sflag:s21], $0x280  }
0x197: {  	[sflag:s21] =	ssyncset.done $0x0  }
0x198: {  	[sflag:s21] =	ssyncadd.s32 $0xFFFFFD80  }
0x199: {  	[bflag:$0x0] =	sbarrier.arrive $0xFFFF  }
0x19a: {  	s31 =	rddreg [dreg:$0x3]  }
0x19b: {  	[tilespmem:s18], [sflag:$0x3] =	stream.strided.gather [spmem:s31], $0x2800, s20, s19, $0x200038;
	[tilespmem:$0x1BD00] =	vst v63  }
0x19c: {  	_ =	swait.ge [sflag:s21], $0x2800  }
0x19d: {  	[sflag:s21] =	ssyncset.done $0x0  }
0x19e: {  	[sflag:s21] =	ssyncadd.s32 $0xFFFFD800  }
0x19f: {  	[tilespmem:s25], [sflag:$0x3] =	stream.strided.gather [spmem:s14], $0x2800, s20, s19, $0x200038;
	[tilespmem:$0x1BD00] =	vst v63  }
.Ltmp8:
0x1a0: {  	_ = 	snop;
	(pc) =	sbr.rel @!p0 .LBB2_17-.Ltmp8, $4  }
0x1a1: {  	_ =	swait.ge [sflag:s21], $0x2800  }
0x1a2: {  	[sflag:s21] =	ssyncset.done $0x0  }
0x1a3: {  	[sflag:s21] =	ssyncadd.s32 $0xFFFFD800  }
0x1a4: {  	_ =	strace $0x90000049  }
0x1a5: {  	s0 =	simm.s32 $0x0  }
0x1a6: {  	v4 =	vor.u32 s0, v1  }
0x1a7: {  	v5 =	vmulhi.u32 $0x88888889, v4  }
0x1a8: {  	_ =	swait.ge [sflag:s29], $0xA00  }
0x1a9: {  	[sflag:s29] =	ssyncset.done $0x0;
	v5 =	vshrl.u32 v5, $0x7  }
0x1aa: {  	s1 =	simm.s32 $0x10;
	[sflag:s29] =	ssyncadd.s32 $0xFFFFF600;
	v5 =	vmul.u32 $0xF0, v5  }
.LBB2_19:
0x1ab: {  	p2 =	sne.s32 s1, $0x1DF0  }
.Ltmp9:
0x1ac: {  	s2 =	smov.u32 s1;
	v5 =	vsub.s32 v4, v5;
	v4 =	vor.u32 s1, v1;
	s1 =	sadd.s32 $0x10, s1;
	(pc) =	sbr.rel @p2 .LBB2_19-.Ltmp9, $4  }
0x1ad: {  	s5 =	sand.u32 $0x1FF0, s0;
	s0 =	smov.u32 s2;
	v6 =	vmulhi.u32 $0x88888889, v4;
	v5 =	vadd.s32 $0x2710, v5  }
0x1ae: {  	[tilespmem:s5+$0xAA00] =	vst v5  }
0x1af: {  	v5 =	vshrl.u32 v6, $0x7  }
0x1b0: {  	v5 =	vmul.u32 $0xF0, v5  }
.Ltmp10:
0x1b1: {  	(pc) =	sbr.rel .LBB2_21-.Ltmp10, $4  }
0x1b2: {  	_ = 	snop  }
0x1b3: {  	v4 =	vsub.s32 v4, v5  }
0x1b4: {  	s0 =	sand.u32 $0x1FF0, s0;
	v4 =	vadd.s32 $0x2710, v4  }
0x1b5: {  	[tilespmem:s0+$0xAA00] =	vst v4  }
.LBB2_17:
0x1b6: {  	_ =	swait.ge [sflag:s29], $0x2800  }
0x1b7: {  	[sflag:s29] =	ssyncset.done $0x0  }
0x1b8: {  	[sflag:s29] =	ssyncadd.s32 $0xFFFFD800  }
.LBB2_21:
0x1b9: {  	s0 =	simm.s32 $0x0;
	s1 =	sadd.s32 $0x0, s4  }
0x1ba: {  	s7 =	sand.u32 $0x7F80, s1;
	s0 =	sand.u32 $0x40, s0  }
0x1bb: {  	_ =	strace $0x8000004A;
	s0 =	sor.u32 s0, s7  }
0x1bc: {  	v4 =	vld [tilespmem:s0+$0x5000];
	_ =	sdelay $0x1  }
0x1bd: {  	v5 =	vld [tilespmem:s0+$0x0];
	_ =	sdelay $0x2  }
0x1be: {  	v4 =	vmul.u32 $0x2800, v4  }
0x1bf: {  	s31 =	simm.s32 $0xA020  }
0x1c0: {  	v6 =	vld [tilespmem:s31+$0xFFFFFFE0];
	v5 =	vadd.s32 v5, v4;
	_ =	sdelay $0x4  }
0x1c1: {  	s26 =	simm.s32 $0x40;
	s1 =	sadd.s32 $0x40, s4;
	v4 =	vadd.s32 v4, v6;
	v5 =	vld.idx.msk [tilespmem:v5+s18+$0x0], $0xffff  }
0x1c2: {  	s2 =	sand.u32 $0x40, s26;
	s0 =	sand.u32 $0x7F80, s1  }
0x1c3: {  	s1 =	sor.u32 s2, s0  }
0x1c4: {  	s2 =	simm.s32 $0x10;
	v7 =	vld [tilespmem:s1+$0x5000]  }
0x1c5: {  	s5 =	sand.u32 $0x50, s2;
	v6 =	vld [tilespmem:s1+$0x0]  }
0x1c6: {  	s1 =	sor.u32 s5, s7;
	[tilespmem:v4+s30+$0x0] =	vst.idx.add.f32.msk $0xffff, v5  }
0x1c7: {  	v4 =	vld [tilespmem:s1+$0x5000];
	_ =	sdelay $0x1  }
0x1c8: {  	v5 =	vld [tilespmem:s1+$0x0]  }
0x1c9: {  	v7 =	vmul.u32 $0x2800, v7  }
0x1ca: {  	s1 =	simm.s32 $0xA060  }
0x1cb: {  	v6 =	vadd.s32 v6, v7;
	v8 =	vld [tilespmem:s1+$0xFFFFFFE0];
	v4 =	vmul.u32 $0x2800, v4;
	_ =	sdelay $0x1  }
0x1cc: {  	v9 =	vld [tilespmem:s31+$0xFFFFFFF0];
	v5 =	vadd.s32 v5, v4;
	_ =	sdelay $0x2  }
0x1cd: {  	s28 =	simm.s32 $0x80;
	s6 =	sadd.s32 $0x80, s4;
	v6 =	vld.idx.msk [tilespmem:v6+s18+$0x0], $0xffff;
	v7 =	vadd.s32 v7, v8  }
0x1ce: {  	s2 =	sand.u32 $0x7F80, s6;
	s5 =	sand.u32 $0x40, s28  }
0x1cf: {  	s5 =	sor.u32 s5, s2;
	v4 =	vadd.s32 v4, v9;
	v5 =	vld.idx.msk [tilespmem:v5+s18+$0x0], $0xffff  }
0x1d0: {  	s6 =	simm.s32 $0x50;
	v8 =	vld [tilespmem:s5+$0x0]  }
0x1d1: {  	s8 =	sand.u32 $0x50, s6;
	v9 =	vld [tilespmem:s5+$0x5000]  }
0x1d2: {  	s9 =	simm.s32 $0x20;
	s5 =	sor.u32 s8, s0;
	[tilespmem:v7+s30+$0x0] =	vst.idx.add.f32.msk $0xffff, v6  }
0x1d3: {  	s6 =	sand.u32 $0x60, s9;
	v6 =	vld [tilespmem:s5+$0x5000]  }
0x1d4: {  	s6 =	sor.u32 s6, s7;
	[tilespmem:v4+s30+$0x0] =	vst.idx.add.f32.msk $0xffff, v5  }
0x1d5: {  	v4 =	vld [tilespmem:s6+$0x5000]  }
0x1d6: {  	v7 =	vmul.u32 $0x2800, v9;
	v5 =	vld [tilespmem:s5+$0x0]  }
0x1d7: {  	s8 =	simm.s32 $0xA0A0;
	v9 =	vld [tilespmem:s6+$0x0]  }
0x1d8: {  	v10 =	vld [tilespmem:s8+$0xFFFFFFE0];
	v8 =	vadd.s32 v8, v7  }
0x1d9: {  	v6 =	vmul.u32 $0x2800, v6  }
0x1da: {  	v4 =	vmul.u32 $0x2800, v4  }
0x1db: {  	s22 =	sadd.s32 $0xC0, s4;
	v12 =	vld [tilespmem:s1+$0xFFFFFFF0];
	s5 =	simm.s32 $0xC0;
	v11 =	vadd.s32 v5, v6  }
0x1dc: {  	s6 =	sand.u32 $0x7F80, s22;
	s9 =	sand.u32 $0x40, s5;
	v13 =	vld [tilespmem:s31+$0x0];
	v9 =	vadd.s32 v9, v4  }
0x1dd: {  	v7 =	vadd.s32 v7, v10;
	s9 =	sor.u32 s9, s6;
	v8 =	vld.idx.msk [tilespmem:v8+s18+$0x0], $0xffff  }
0x1de: {  	v10 =	vld [tilespmem:s9+$0x5000]  }
0x1df: {  	v5 =	vld [tilespmem:s9+$0x0]  }
0x1e0: {  	s23 =	simm.s32 $0x90;
	v12 =	vadd.s32 v6, v12;
	v11 =	vld.idx.msk [tilespmem:v11+s18+$0x0], $0xffff  }
0x1e1: {  	s9 =	sand.u32 $0x50, s23;
	v4 =	vadd.s32 v4, v13;
	v9 =	vld.idx.msk [tilespmem:v9+s18+$0x0], $0xffff  }
0x1e2: {  	s9 =	sor.u32 s9, s2;
	[tilespmem:v7+s30+$0x0] =	vst.idx.add.f32.msk $0xffff, v8  }
0x1e3: {  	v6 =	vld [tilespmem:s9+$0x0]  }
0x1e4: {  	s24 =	simm.s32 $0x30;
	v7 =	vld [tilespmem:s9+$0x5000]  }
0x1e5: {  	s22 =	simm.s32 $0x60;
	s9 =	sand.u32 $0x70, s24;
	[tilespmem:v12+s30+$0x0] =	vst.idx.add.f32.msk $0xffff, v11  }
0x1e6: {  	s22 =	sand.u32 $0x60, s22;
	v8 =	vmul.u32 $0x2800, v10;
	s23 =	sor.u32 s9, s7;
	[tilespmem:v4+s30+$0x0] =	vst.idx.add.f32.msk $0xffff, v9  }
0x1e7: {  	s24 =	sor.u32 s22, s0;
	s9 =	simm.s32 $0x100;
	s7 =	simm.s32 $0xA0A0;
	v4 =	vld [tilespmem:s23+$0x5000]  }
.LBB2_22:
0x1e8: {  	p2 =	sne.s32 s9, $0x27C0;
	v9 =	vadd.s32 v5, v8;
	v10 =	vld [tilespmem:s24+$0x5000];
	s22 =	smov.u32 s6  }
0x1e9: {  	s6 =	sadd.s32 s9, s4;
	v11 =	vld [tilespmem:s23+$0x0]  }
0x1ea: {  	s8 =	sadd.s32 $0x40, s8;
	s6 =	sand.u32 $0x7F80, s6;
	s23 =	sand.u32 $0x40, s9;
	v12 =	vld [tilespmem:s24+$0x0]  }
0x1eb: {  	v7 =	vmul.u32 $0x2800, v7;
	s23 =	sor.u32 s23, s6;
	v13 =	vld [tilespmem:s8+$0xFFFFFFE0]  }
0x1ec: {  	v5 =	vld [tilespmem:s23+$0x0];
	v4 =	vmul.u32 $0x2800, v4  }
0x1ed: {  	v6 =	vadd.s32 v6, v7;
	v9 =	vld.idx.msk [tilespmem:v9+s18+$0x0], $0xffff;
	v10 =	vmul.u32 $0x2800, v10  }
0x1ee: {  	v14 =	vld [tilespmem:s7+$0xFFFFFFF0];
	v11 =	vadd.s32 v11, v4  }
0x1ef: {  	v12 =	vadd.s32 v12, v10;
	v15 =	vld [tilespmem:s31+$0x10];
	s31 =	smov.u32 s1;
	s1 =	smov.u32 s7;
	s7 =	smov.u32 s8  }
0x1f0: {  	v8 =	vadd.s32 v8, v13;
	v13 =	vld [tilespmem:s31+$0x0]  }
0x1f1: {  	v16 =	vld [tilespmem:s23+$0x5000]  }
0x1f2: {  	v17 =	vld.idx.msk [tilespmem:v6+s18+$0x0], $0xffff  }
0x1f3: {  	s23 =	sadd.s32 $0x10, s5;
	v14 =	vadd.s32 v7, v14;
	v11 =	vld.idx.msk [tilespmem:v11+s18+$0x0], $0xffff  }
0x1f4: {  	s23 =	sand.u32 $0x50, s23;
	v12 =	vld.idx.msk [tilespmem:v12+s18+$0x0], $0xffff;
	v4 =	vadd.s32 v4, v15  }
0x1f5: {  	s23 =	sor.u32 s23, s22;
	[tilespmem:v8+s30+$0x0] =	vst.idx.add.f32.msk $0xffff, v9;
	v9 =	vadd.s32 v10, v13  }
0x1f6: {  	v6 =	vld [tilespmem:s23+$0x0]  }
.Ltmp11:
0x1f7: {  	v7 =	vld [tilespmem:s23+$0x5000];
	(pc) =	sbr.rel @p2 .LBB2_22-.Ltmp11, $4  }
0x1f8: {  	s23 =	sadd.s32 $0x30, s26;
	s26 =	smov.u32 s28;
	s28 =	smov.u32 s5;
	[tilespmem:v14+s30+$0x0] =	vst.idx.add.f32.msk $0xffff, v17  }
0x1f9: {  	s5 =	smov.u32 s9;
	s24 =	sadd.s32 $0x20, s26;
	s23 =	sand.u32 $0x70, s23;
	[tilespmem:v4+s30+$0x0] =	vst.idx.add.f32.msk $0xffff, v11  }
0x1fa: {  	v8 =	vmul.u32 $0x2800, v16;
	s24 =	sand.u32 $0x60, s24;
	s23 =	sor.u32 s23, s0;
	s0 =	smov.u32 s2;
	[tilespmem:v9+s30+$0x0] =	vst.idx.add.f32.msk $0xffff, v12  }
0x1fb: {  	s9 =	sadd.s32 $0x40, s9;
	s2 =	smov.u32 s22;
	s24 =	sor.u32 s24, s0;
	v4 =	vld [tilespmem:s23+$0x5000]  }
0x1fc: {  	s8 =	sadd.s32 $0x40, s8  }
0x1fd: {  	v5 =	vadd.s32 v5, v8;
	v9 =	vld [tilespmem:s8+$0xFFFFFFE0];
	_ =	sdelay $0x4  }
0x1fe: {  	v5 =	vld.idx.msk [tilespmem:v5+s18+$0x0], $0xffff;
	v51 =	vadd.s32 v8, v9;
	_ =	sdelay $0x2  }
0x1ff: {  	s9 =	sadd.s32 $0x10, s5  }
0x200: {  	v7 =	vmul.u32 $0x2800, v7;
	v52 =	vld [tilespmem:s7+$0xFFFFFFF0];
	s9 =	sand.u32 $0x50, s9  }
0x201: {  	s9 =	sor.u32 s9, s6;
	[tilespmem:v51+s30+$0x0] =	vst.idx.add.f32.msk $0xffff, v5  }
0x202: {  	v6 =	vadd.s32 v6, v7;
	v5 =	vld [tilespmem:s9+$0x5000];
	_ =	sdelay $0x1  }
0x203: {  	v8 =	vld [tilespmem:s9+$0x0];
	_ =	sdelay $0x2  }
0x204: {  	v7 =	vadd.s32 v7, v52;
	v6 =	vld.idx.msk [tilespmem:v6+s18+$0x0], $0xffff;
	v5 =	vmul.u32 $0x2800, v5;
	_ =	sdelay $0x1  }
0x205: {  	v10 =	vld [tilespmem:s8+$0xFFFFFFF0];
	v8 =	vadd.s32 v8, v5  }
0x206: {  	s22 =	sadd.s32 $0x20, s28  }
0x207: {  	s9 =	sand.u32 $0x60, s22  }
0x208: {  	[tilespmem:v7+s30+$0x0] =	vst.idx.add.f32.msk $0xffff, v6;
	s9 =	sor.u32 s9, s2  }
0x209: {  	v6 =	vld [tilespmem:s9+$0x5000]  }
0x20a: {  	v5 =	vadd.s32 v5, v10;
	v8 =	vld.idx.msk [tilespmem:v8+s18+$0x0], $0xffff  }
0x20b: {  	v53 =	vld [tilespmem:s24+$0x5000]  }
0x20c: {  	v7 =	vld [tilespmem:s9+$0x0]  }
0x20d: {  	s22 =	sadd.s32 $0x20, s5  }
0x20e: {  	v54 =	vld [tilespmem:s24+$0x0];
	s22 =	sand.u32 $0x60, s22  }
0x20f: {  	s9 =	sor.u32 s22, s6;
	v6 =	vmul.u32 $0x2800, v6;
	[tilespmem:v5+s30+$0x0] =	vst.idx.add.f32.msk $0xffff, v8  }
0x210: {  	v5 =	vld [tilespmem:s9+$0x5000]  }
0x211: {  	v9 =	vmul.u32 $0x2800, v53;
	v12 =	vld [tilespmem:s7+$0x0];
	v7 =	vadd.s32 v7, v6  }
0x212: {  	v11 =	vld [tilespmem:s9+$0x0]  }
0x213: {  	v56 =	vld [tilespmem:s1+$0x0];
	v55 =	vadd.s32 v54, v9;
	_ =	sdelay $0x1  }
0x214: {  	v5 =	vmul.u32 $0x2800, v5  }
0x215: {  	v6 =	vadd.s32 v6, v12;
	v7 =	vld.idx.msk [tilespmem:v7+s18+$0x0], $0xffff  }
0x216: {  	v58 =	vld [tilespmem:s8+$0x0];
	v57 =	vadd.s32 v11, v5  }
0x217: {  	v9 =	vadd.s32 v9, v56;
	v8 =	vld.idx.msk [tilespmem:v55+s18+$0x0], $0xffff;
	_ =	sdelay $0x1  }
0x218: {  	v13 =	vld [tilespmem:s23+$0x0]  }
0x219: {  	s23 =	sadd.s32 $0x30, s26;
	[tilespmem:v6+s30+$0x0] =	vst.idx.add.f32.msk $0xffff, v7  }
0x21a: {  	s9 =	sand.u32 $0x70, s23;
	v5 =	vadd.s32 v5, v58;
	v59 =	vld.idx.msk [tilespmem:v57+s18+$0x0], $0xffff  }
0x21b: {  	s24 =	sadd.s32 $0x30, s28;
	s0 =	sor.u32 s9, s0;
	[tilespmem:v9+s30+$0x0] =	vst.idx.add.f32.msk $0xffff, v8  }
0x21c: {  	s26 =	sand.u32 $0x70, s24;
	v9 =	vld [tilespmem:s0+$0x5000]  }
0x21d: {  	s28 =	sadd.s32 $0x30, s5;
	v60 =	vld [tilespmem:s0+$0x0];
	s0 =	sor.u32 s26, s2  }
0x21e: {  	s2 =	sand.u32 $0x70, s28;
	v6 =	vld [tilespmem:s0+$0x5000]  }
0x21f: {  	s2 =	sor.u32 s2, s6;
	[tilespmem:v5+s30+$0x0] =	vst.idx.add.f32.msk $0xffff, v59  }
0x220: {  	v5 =	vld [tilespmem:s2+$0x5000]  }
0x221: {  	v7 =	vld [tilespmem:s0+$0x0]  }
0x222: {  	v4 =	vmul.u32 $0x2800, v4;
	v8 =	vld [tilespmem:s2+$0x0]  }
0x223: {  	v9 =	vmul.u32 $0x2800, v9  }
0x224: {  	v62 =	vld [tilespmem:s31+$0x10];
	v61 =	vadd.s32 v13, v4;
	v6 =	vmul.u32 $0x2800, v6  }
0x225: {  	v63 =	vld [tilespmem:s1+$0x10];
	v10 =	vadd.s32 v60, v9;
	v5 =	vmul.u32 $0x2800, v5  }
0x226: {  	v14 =	vld [tilespmem:s7+$0x10];
	v7 =	vadd.s32 v7, v6  }
0x227: {  	v15 =	vld [tilespmem:s8+$0x10];
	v8 =	vadd.s32 v8, v5;
	_ =	sdelay $0x1  }
0x228: {  	v4 =	vadd.s32 v4, v62;
	v11 =	vld.idx.msk [tilespmem:v61+s18+$0x0], $0xffff  }
0x229: {  	v9 =	vadd.s32 v9, v63;
	v10 =	vld.idx.msk [tilespmem:v10+s18+$0x0], $0xffff  }
0x22a: {  	v6 =	vadd.s32 v6, v14;
	v7 =	vld.idx.msk [tilespmem:v7+s18+$0x0], $0xffff  }
0x22b: {  	v5 =	vadd.s32 v5, v15;
	v8 =	vld.idx.msk [tilespmem:v8+s18+$0x0], $0xffff;
	_ =	sdelay $0x1  }
0x22c: {  	[tilespmem:v4+s30+$0x0] =	vst.idx.add.f32.msk $0xffff, v11  }
0x22d: {  	[tilespmem:v9+s30+$0x0] =	vst.idx.add.f32.msk $0xffff, v10  }
0x22e: {  	[tilespmem:v6+s30+$0x0] =	vst.idx.add.f32.msk $0xffff, v7  }
0x22f: {  	[tilespmem:v5+s30+$0x0] =	vst.idx.add.f32.msk $0xffff, v8  }
0x230: {  	s3 =	sadd.s32 $0x1, s3;
	_ =	strace $0x9000004A  }
0x231: {  	p2 =	sne.s32 s3, s16;
	_ =	strace $0x8000004B  }
0x232: {  	[hbm4b:s15+s19] =	stream.strided.scatter [tilespmem:s30], [sflag:$0x3], $0x5000, s20, s19, $0x200038;
	[tilespmem:$0x1BD00] =	vst v63  }
.Ltmp12:
0x233: {  	_ = 	snop;
	(pc) =	sbr.rel @p2 .LBB2_1-.Ltmp12, $4  }
0x234: {  	_ =	swait.ge [sflag:s21], $0x5000  }
0x235: {  	[sflag:s21] =	ssyncset.done $0x0  }
0x236: {  	s22 =	simm.s32 $0x16800;
	[sflag:s21] =	ssyncadd.s32 $0xFFFFB000  }
0x237: {  	s9 =	simm.s32 $0x14000;
	s8 =	simm.s32 $0x1400;
	_ =	strace $0x9000004B  }
0x238: {  	_ =	sfence.sel $0x180000  }
0x239: {  	[bflag:$0x0] =	sbarrier.arrive $0xFFFF  }
0x23a: {  	_ =	strace $0x90000047  }
0x23b: {  	s0 =	stileid.u32;
	[bflag:$0x2] =	sbarrier.arrive $0xFFFF  }
0x23c: {  	p0 =	sne.s32 s0, $0x0;
	s0 =	rddreg [dreg:$0x4]  }
0x23d: {  	s0 =	sadd.s32 @!p0 $0x100000, s0  }
0x23e: {  	[sflag:s0] =	ssyncadd.tile.s32 @!p0 $0x1;
	_ =	shalt  }
.Lfunc_end2:
_tile_overlayer_lowered:
.L_overlay_start_2:
0x23f: {  	(tag) =	ssettag $0x2  }
0x240: {  	s0 =	rddreg [dreg:$0x0];
	s2 =	stileid.u32  }
0x241: {  	s1 =	rddreg [dreg:$0x1];
	p0 =	sne.s32 s2, $0x0  }
0x242: {  	s3 =	rddreg [dreg:$0x2];
	[bflag:$0x3] =	sbarrier.arrive $0xFFFF;
	s2 =	simm.s32 @!p0 $0x1C03  }
0x243: {  	[timem:s3], [sflag:s2] =	dma.local @!p0 [hbm:s0], s1  }
0x244: {  	s0 =	simm.s32 @!p0 $0x3  }
0x245: {  	_ =	swait.ge @!p0 [sflag:s0], s1  }
0x246: {  	s1 =	ssub.s32 @!p0 $0x0, s1;
	[sflag:s0] =	ssyncset.done @!p0 $0x0  }
0x247: {  	[sflag:s0] =	ssyncadd.s32 @!p0 s1  }
0x248: {  	[bflag:$0x3] =	sbarrier.arrive $0xFFFF  }
0x249: {  	_ =	shalt  }

</sc_bundles>
